<compile_context>
chip_gen: v7x
topology: tpu7x:2x2x1
jax: 0.10.2.dev20260603
libtpu: 0.0.44.dev20260713+nightly
codegen_flags: <defaults>
</compile_context>

<pallas_src>
import functools

import jax
import jax.numpy as jnp
from jax import lax
from jax.experimental import pallas as pl
from jax.experimental.pallas import tpu as pltpu
from jax.experimental.pallas import tpu_sc as plsc

_B, _N, _D, _E, _A = 32, 128, 256, 16, 4096
_L = 16
_NCHUNK = _A // _L


def _tc_body(he_ref, he2_ref, h_ref, wedit_ref, bedit_ref, wstop_ref,
             bstop_ref, t4_ref, s4t_ref, stop_ref):
    h = h_ref[0]
    si = jnp.dot(h, wedit_ref[:_D], preferred_element_type=jnp.float32)
    si = si + bedit_ref[...]
    sj = jnp.dot(h, wedit_ref[_D:2 * _D], preferred_element_type=jnp.float32)
    stop_col = jnp.dot(h, wstop_ref[...], preferred_element_type=jnp.float32)
    stop_ref[...] = jnp.full(
        (1, 1, 128),
        jnp.sum(stop_col) * (1.0 / _N) + bstop_ref[0, 0], jnp.float32)
    s4t_ref[0, 0:4] = si.T
    s4t_ref[0, 4:8] = sj.T
    we_t = wedit_ref[2 * _D:].T
    rows = lax.broadcasted_iota(jnp.int32, (32, 128), 0)
    cols = lax.broadcasted_iota(jnp.int32, (32, 128), 1)
    w4t = jnp.where(rows // 4 == cols // _E, jnp.tile(we_t, (8, 8)), 0.0)
    sjt = sj.T
    sj32 = jnp.broadcast_to(sjt[None, :, :], (8, 4, _N)).reshape(32, _N)
    for g in range(_N // 8):
        src = he_ref if g < 8 else he2_ref
        m = src[0, pl.ds(8 * g % 64, 8)].reshape(128, _N)
        out = jnp.dot(w4t, m, preferred_element_type=jnp.float32) + sj32
        outr = out.astype(jnp.bfloat16).astype(jnp.float32)
        bits = jax.lax.bitcast_convert_type(outr, jnp.int32)
        word = bits[16:32] | jax.lax.shift_right_logical(bits[0:16], 16)
        pk = jax.lax.bitcast_convert_type(word, jnp.float32)
        t4_ref[0, pl.ds(16 * g, 16)] = pk


def _tc_tables(he_t, h_nodes, w_edit, b_edit, w_stop, b_stop):
    return pl.pallas_call(
        _tc_body,
        grid=(_B,),
        in_specs=[
            pl.BlockSpec((1, _N // 2, _E, _N), lambda b: (b, 0, 0, 0)),
            pl.BlockSpec((1, _N // 2, _E, _N), lambda b: (b, 1, 0, 0)),
            pl.BlockSpec((1, _N, _D), lambda b: (b, 0, 0)),
            pl.BlockSpec((2 * _D + _E, 4), lambda b: (0, 0)),
            pl.BlockSpec((1, 4), lambda b: (0, 0)),
            pl.BlockSpec((_D, 1), lambda b: (0, 0)),
            pl.BlockSpec((1, 1), lambda b: (0, 0)),
        ],
        out_specs=[
            pl.BlockSpec((1, _N * 2, _N), lambda b: (b, 0, 0)),
            pl.BlockSpec((1, 8, _N), lambda b: (b, 0, 0)),
            pl.BlockSpec((1, 1, 128), lambda b: (b, 0, 0)),
        ],
        out_shape=[
            jax.ShapeDtypeStruct((_B, _N * 2, _N), jnp.float32),
            jax.ShapeDtypeStruct((_B, 8, _N), jnp.float32),
            jax.ShapeDtypeStruct((_B, 1, 128), jnp.float32),
        ],
    )(he_t, he_t, h_nodes, w_edit, b_edit, w_stop, b_stop)


def _sc_edit_logits(t4, s4t, i_idx, j_idx, c_idx):
    info = plsc.get_sparse_core_info()
    mesh = plsc.VectorSubcoreMesh(core_axis_name="c", subcore_axis_name="s")

    @functools.partial(
        pl.kernel,
        out_type=jax.ShapeDtypeStruct((_B, _A // 128, 128), jnp.float32),
        mesh=mesh,
        compiler_params=pltpu.CompilerParams(
            needs_layout_passes=False, use_tc_tiling_on_sc=False),
        scratch_types=[
            pltpu.VMEM((_A,), jnp.int32),
            pltpu.VMEM((_A,), jnp.int32),
            pltpu.VMEM((_A,), jnp.int32),
            pltpu.VMEM((_N * 2, _N), jnp.float32),
            pltpu.VMEM((8, _N), jnp.float32),
            pltpu.VMEM((_A // 128, 128), jnp.float32),
            pltpu.SemaphoreType.DMA,
        ],
    )
    def k(t4_hbm, s4t_hbm, i_hbm, j_hbm, c_hbm,
          out_hbm, i_v, j_v, c_v, t4_v, s4t_v, out_v, sem):
        wid = lax.axis_index("s") * info.num_cores + lax.axis_index("c")
        cps = [
            pltpu.async_copy(i_hbm, i_v, sem),
            pltpu.async_copy(j_hbm, j_v, sem),
            pltpu.async_copy(c_hbm, c_v, sem),
            pltpu.async_copy(t4_hbm.at[wid], t4_v, sem),
            pltpu.async_copy(s4t_hbm.at[wid], s4t_v, sem),
        ]
        for cp in cps:
            cp.wait()

        mhi = jnp.int32(-65536)

        @plsc.parallel_loop(0, _NCHUNK, unroll=4)
        def chunk(q):
            a0 = q * _L
            iv = i_v[pl.ds(a0, _L)]
            jv = j_v[pl.ds(a0, _L)]
            cv = c_v[pl.ds(a0, _L)]
            r = ((iv & 7) << 2) + cv
            row = ((iv >> 3) << 4) + (r & 15)
            word = plsc.load_gather(t4_v, [row, jv])
            bits = plsc.bitcast(word, jnp.int32)
            vbits = jnp.where(r >= 16, bits & mhi, bits << 16)
            acc = plsc.bitcast(vbits, jnp.float32)
            acc = acc + plsc.load_gather(s4t_v, [cv, iv])
            out_v[q // 8, pl.ds((q % 8) * _L, _L)] = acc

        pltpu.sync_copy(out_v, out_hbm.at[wid])

    return k(t4, s4t, i_idx, j_idx, c_idx)


def kernel(h_nodes, h_edges, W_edit, b_edit, W_stop, b_stop, edit_ij, edit_b,
           feas, stop_feas):
    he_t = jnp.transpose(h_edges, (0, 1, 3, 2))

    t4, s4t, stop_tab = _tc_tables(he_t, h_nodes, W_edit, b_edit[None, :],
                                   W_stop, b_stop[None, :])
    raw = _sc_edit_logits(t4, s4t, edit_ij[0], edit_ij[1], edit_b)

    minf = jnp.float32(-jnp.inf)
    edit_logits = jnp.where(feas.astype(bool), raw.reshape(_B, _A), minf)
    stop = jnp.where(stop_feas.astype(bool), stop_tab[:, 0, 0], minf)
    return jnp.concatenate([edit_logits, stop[:, None]], axis=1)

# --- scband reference (transcript-rebuilt; emitter-appended) ---
"""Pipeline reference for scband-reverse-policy-52080773431693 (READ-ONLY COPY).

The authoritative reference and input builder live on the scoring server;
editing this copy changes nothing except your own understanding.
"""

import jax, jax.numpy as jnp
import numpy as np

B, N, D, E, A = 32, 128, 256, 16, 4096

def setup_inputs(seed: int = 0) -> dict:
    key = jax.random.key(seed)
    ks = jax.random.split(key, 8)
    h_nodes = jax.random.normal(ks[0], (B, N, D), dtype=jnp.float32)
    h_edges = jax.random.normal(ks[1], (B, N, N, E), dtype=jnp.float32)
    edit_ij = jax.random.randint(ks[2], (2, A), 0, N, dtype=jnp.int32)
    edit_b = jax.random.randint(ks[3], (A,), 0, 4, dtype=jnp.int32)
    feas = jax.random.randint(ks[4], (B, A), 0, 2, dtype=jnp.int32)
    stop_feas = jnp.ones((B,), dtype=jnp.int32)
    W_edit = jax.random.normal(ks[5], (2 * D + E, 4), dtype=jnp.float32) * 0.05
    b_edit = jnp.zeros((4,), dtype=jnp.float32)
    W_stop = jax.random.normal(ks[6], (D, 1), dtype=jnp.float32) * 0.05
    b_stop = jnp.zeros((1,), dtype=jnp.float32)
    return {"h_nodes": h_nodes, "h_edges": h_edges, "W_edit": W_edit, "b_edit": b_edit, "W_stop": W_stop, "b_stop": b_stop, "edit_ij": edit_ij, "edit_b": edit_b, "feas": feas, "stop_feas": stop_feas}


def reference(h_nodes, h_edges, W_edit, b_edit, W_stop, b_stop, edit_ij, edit_b, feas, stop_feas):
    # Vectorized form of ReversePolicy.logits: each candidate edit (i, j, b)
    # gathers node feats i, j and edge feat (i, j), scores with edit_head,
    # selects bond-type logit b, masks infeasible edits with -inf, then
    # appends the STOP logit from stop_head on mean-pooled node features.
    i_idx = edit_ij[0]
    j_idx = edit_ij[1]
    hi = jnp.take(h_nodes, i_idx, axis=1)            # [B, A, D] gather
    hj = jnp.take(h_nodes, j_idx, axis=1)            # [B, A, D] gather
    he = h_edges[:, i_idx, j_idx]                    # [B, A, E] gather
    feat = jnp.concatenate([hi, hj, he], axis=-1)    # [B, A, 2D+E]
    logit_all = feat @ W_edit + b_edit               # [B, A, 4]
    logit = jnp.take_along_axis(logit_all, edit_b[None, :, None].astype(jnp.int32), axis=2)[..., 0]  # [B, A]
    logit = jnp.where(feas.astype(bool), logit, jnp.full_like(logit, -jnp.inf))
    stop_score = (jnp.mean(h_nodes, axis=1) @ W_stop + b_stop)[:, 0]  # [B]
    stop_score = jnp.where(stop_feas.astype(bool), stop_score, jnp.full_like(stop_score, -jnp.inf))
    logits = jnp.concatenate([logit, stop_score[:, None]], axis=1)    # [B, A+1]
    return logits


if False:  # reference __main__ guard neutralized (emitter)
    out = reference(**setup_inputs())
    print(out.shape, out.dtype)

if __name__ == "__main__":
    import jax
    _d = setup_inputs()
    print(jax.jit(kernel)(*tuple(_d.values())))

</pallas_src>

<mosaic_0001>
#map = affine_map<(d0, d1) -> (0, 0, 0)>
#map1 = affine_map<(d0, d1) -> (0)>
module attributes {stable_mosaic.version = 14 : i64} {
  func.func @k(%arg0: i32, %arg1: i32, %arg2: memref<32x256x128xf32, #tpu.memory_space<hbm>>, %arg3: memref<32x8x128xf32, #tpu.memory_space<hbm>>, %arg4: memref<4096xi32, #tpu.memory_space<hbm>>, %arg5: memref<4096xi32, #tpu.memory_space<hbm>>, %arg6: memref<4096xi32, #tpu.memory_space<hbm>>, %arg7: memref<32x32x128xf32, #tpu.memory_space<hbm>>, %arg8: memref<4096xi32, #tpu.memory_space<vmem>>, %arg9: memref<4096xi32, #tpu.memory_space<vmem>>, %arg10: memref<4096xi32, #tpu.memory_space<vmem>>, %arg11: memref<256x128xf32, #tpu.memory_space<vmem>>, %arg12: memref<8x128xf32, #tpu.memory_space<vmem>>, %arg13: memref<32x128xf32, #tpu.memory_space<vmem>>, %arg14: memref<!tpu.dma_semaphore, #tpu.memory_space<semaphore_mem>>) attributes {dimension_semantics = [#tpu.dimension_semantics<core_parallel>, #tpu.dimension_semantics<subcore_parallel>], iteration_bounds = array<i64: 2, 16>, scalar_prefetch = 0 : i64, scratch_operands = 7 : i64, tpu.core_type = #tpu.core_type<sc_vector_subcore>, window_params = [{transform_indices = #map}, {transform_indices = #map}, {transform_indices = #map1}, {transform_indices = #map1}, {transform_indices = #map1}, {transform_indices = #map}]} {
    %mul3A = arith.constant 2 : i32
    %mul3A_0 = arith.muli %arg1, %mul3A : i32
    %add3A = arith.addi %mul3A_0, %arg0 : i32
    tpu.enqueue_dma source(%arg4 : memref<4096xi32, #tpu.memory_space<hbm>>) target(%arg8 : memref<4096xi32, #tpu.memory_space<vmem>>) target_semaphore(%arg14 : memref<!tpu.dma_semaphore, #tpu.memory_space<semaphore_mem>>)
    tpu.enqueue_dma source(%arg5 : memref<4096xi32, #tpu.memory_space<hbm>>) target(%arg9 : memref<4096xi32, #tpu.memory_space<vmem>>) target_semaphore(%arg14 : memref<!tpu.dma_semaphore, #tpu.memory_space<semaphore_mem>>)
    tpu.enqueue_dma source(%arg6 : memref<4096xi32, #tpu.memory_space<hbm>>) target(%arg10 : memref<4096xi32, #tpu.memory_space<vmem>>) target_semaphore(%arg14 : memref<!tpu.dma_semaphore, #tpu.memory_space<semaphore_mem>>)
    %dma_start3A = arith.constant 0 : i32
    %dma_start3A_1 = arith.constant 0 : i32
    %dma_start3A_2 = tpu.memref_slice %arg2[%add3A, %dma_start3A, %dma_start3A_1] : memref<32x256x128xf32, #tpu.memory_space<hbm>> -> memref<1x256x128xf32, #tpu.memory_space<hbm>>
    %dma_start3A_3 = tpu.memref_squeeze %dma_start3A_2 : memref<1x256x128xf32, #tpu.memory_space<hbm>> -> memref<256x128xf32, #tpu.memory_space<hbm>>
    %dma_start3A_4 = arith.constant 0 : i32
    %dma_start3A_5 = arith.constant 0 : i32
    %dma_start3A_6 = tpu.memref_slice %arg2[%add3A, %dma_start3A_4, %dma_start3A_5] : memref<32x256x128xf32, #tpu.memory_space<hbm>> -> memref<1x256x128xf32, #tpu.memory_space<hbm>>
    %dma_start3A_7 = tpu.memref_squeeze %dma_start3A_6 : memref<1x256x128xf32, #tpu.memory_space<hbm>> -> memref<256x128xf32, #tpu.memory_space<hbm>>
    tpu.enqueue_dma source(%dma_start3A_7 : memref<256x128xf32, #tpu.memory_space<hbm>>) target(%arg11 : memref<256x128xf32, #tpu.memory_space<vmem>>) target_semaphore(%arg14 : memref<!tpu.dma_semaphore, #tpu.memory_space<semaphore_mem>>)
    %dma_start3A_8 = arith.constant 0 : i32
    %dma_start3A_9 = arith.constant 0 : i32
    %dma_start3A_10 = tpu.memref_slice %arg3[%add3A, %dma_start3A_8, %dma_start3A_9] : memref<32x8x128xf32, #tpu.memory_space<hbm>> -> memref<1x8x128xf32, #tpu.memory_space<hbm>>
    %dma_start3A_11 = tpu.memref_squeeze %dma_start3A_10 : memref<1x8x128xf32, #tpu.memory_space<hbm>> -> memref<8x128xf32, #tpu.memory_space<hbm>>
    %dma_start3A_12 = arith.constant 0 : i32
    %dma_start3A_13 = arith.constant 0 : i32
    %dma_start3A_14 = tpu.memref_slice %arg3[%add3A, %dma_start3A_12, %dma_start3A_13] : memref<32x8x128xf32, #tpu.memory_space<hbm>> -> memref<1x8x128xf32, #tpu.memory_space<hbm>>
    %dma_start3A_15 = tpu.memref_squeeze %dma_start3A_14 : memref<1x8x128xf32, #tpu.memory_space<hbm>> -> memref<8x128xf32, #tpu.memory_space<hbm>>
    tpu.enqueue_dma source(%dma_start3A_15 : memref<8x128xf32, #tpu.memory_space<hbm>>) target(%arg12 : memref<8x128xf32, #tpu.memory_space<vmem>>) target_semaphore(%arg14 : memref<!tpu.dma_semaphore, #tpu.memory_space<semaphore_mem>>)
    tpu.wait_dma2 semaphore(%arg14 : memref<!tpu.dma_semaphore, #tpu.memory_space<semaphore_mem>>) src(%arg4 : memref<4096xi32, #tpu.memory_space<hbm>>) dst(%arg8 : memref<4096xi32, #tpu.memory_space<vmem>>)
    tpu.wait_dma2 semaphore(%arg14 : memref<!tpu.dma_semaphore, #tpu.memory_space<semaphore_mem>>) src(%arg5 : memref<4096xi32, #tpu.memory_space<hbm>>) dst(%arg9 : memref<4096xi32, #tpu.memory_space<vmem>>)
    tpu.wait_dma2 semaphore(%arg14 : memref<!tpu.dma_semaphore, #tpu.memory_space<semaphore_mem>>) src(%arg6 : memref<4096xi32, #tpu.memory_space<hbm>>) dst(%arg10 : memref<4096xi32, #tpu.memory_space<vmem>>)
    %dma_wait3A = arith.constant 0 : i32
    %dma_wait3A_16 = arith.constant 0 : i32
    %dma_wait3A_17 = tpu.memref_slice %arg2[%add3A, %dma_wait3A, %dma_wait3A_16] : memref<32x256x128xf32, #tpu.memory_space<hbm>> -> memref<1x256x128xf32, #tpu.memory_space<hbm>>
    %dma_wait3A_18 = tpu.memref_squeeze %dma_wait3A_17 : memref<1x256x128xf32, #tpu.memory_space<hbm>> -> memref<256x128xf32, #tpu.memory_space<hbm>>
    %dma_wait3A_19 = arith.constant 0 : i32
    %dma_wait3A_20 = arith.constant 0 : i32
    %dma_wait3A_21 = tpu.memref_slice %arg2[%add3A, %dma_wait3A_19, %dma_wait3A_20] : memref<32x256x128xf32, #tpu.memory_space<hbm>> -> memref<1x256x128xf32, #tpu.memory_space<hbm>>
    %dma_wait3A_22 = tpu.memref_squeeze %dma_wait3A_21 : memref<1x256x128xf32, #tpu.memory_space<hbm>> -> memref<256x128xf32, #tpu.memory_space<hbm>>
    tpu.wait_dma2 semaphore(%arg14 : memref<!tpu.dma_semaphore, #tpu.memory_space<semaphore_mem>>) src(%dma_wait3A_22 : memref<256x128xf32, #tpu.memory_space<hbm>>) dst(%arg11 : memref<256x128xf32, #tpu.memory_space<vmem>>)
    %dma_wait3A_23 = arith.constant 0 : i32
    %dma_wait3A_24 = arith.constant 0 : i32
    %dma_wait3A_25 = tpu.memref_slice %arg3[%add3A, %dma_wait3A_23, %dma_wait3A_24] : memref<32x8x128xf32, #tpu.memory_space<hbm>> -> memref<1x8x128xf32, #tpu.memory_space<hbm>>
    %dma_wait3A_26 = tpu.memref_squeeze %dma_wait3A_25 : memref<1x8x128xf32, #tpu.memory_space<hbm>> -> memref<8x128xf32, #tpu.memory_space<hbm>>
    %dma_wait3A_27 = arith.constant 0 : i32
    %dma_wait3A_28 = arith.constant 0 : i32
    %dma_wait3A_29 = tpu.memref_slice %arg3[%add3A, %dma_wait3A_27, %dma_wait3A_28] : memref<32x8x128xf32, #tpu.memory_space<hbm>> -> memref<1x8x128xf32, #tpu.memory_space<hbm>>
    %dma_wait3A_30 = tpu.memref_squeeze %dma_wait3A_29 : memref<1x8x128xf32, #tpu.memory_space<hbm>> -> memref<8x128xf32, #tpu.memory_space<hbm>>
    tpu.wait_dma2 semaphore(%arg14 : memref<!tpu.dma_semaphore, #tpu.memory_space<semaphore_mem>>) src(%dma_wait3A_30 : memref<8x128xf32, #tpu.memory_space<hbm>>) dst(%arg12 : memref<8x128xf32, #tpu.memory_space<vmem>>)
    %parallel_loop3A = arith.constant 0 : i32
    %parallel_loop3A_31 = arith.constant 256 : i32
    %parallel_loop3A_32 = arith.constant 1 : i32
    %parallel_loop3A_33 = arith.constant -65536 : i32
    scf.for %parallel_loop3A_34 = %parallel_loop3A to %parallel_loop3A_31 step %parallel_loop3A_32  : i32 {
      %parallel_loop3A_35 = arith.constant 16 : i32
      %parallel_loop3A_36 = arith.muli %parallel_loop3A_34, %parallel_loop3A_35 : i32
      %parallel_loop3A_37 = arith.index_cast %parallel_loop3A_36 : i32 to index
      %parallel_loop3A_38 = tpu.vector_load %arg8[%parallel_loop3A_37] {strides = array<i32>} : memref<4096xi32, #tpu.memory_space<vmem>>, vector<16xi32>,
      %parallel_loop3A_39 = arith.index_cast %parallel_loop3A_36 : i32 to index
      %parallel_loop3A_40 = tpu.vector_load %arg9[%parallel_loop3A_39] {strides = array<i32>} : memref<4096xi32, #tpu.memory_space<vmem>>, vector<16xi32>,
      %parallel_loop3A_41 = arith.index_cast %parallel_loop3A_36 : i32 to index
      %parallel_loop3A_42 = tpu.vector_load %arg10[%parallel_loop3A_41] {strides = array<i32>} : memref<4096xi32, #tpu.memory_space<vmem>>, vector<16xi32>,
      %parallel_loop3A_43 = arith.constant 7 : i32
      %parallel_loop3A_44 = vector.broadcast %parallel_loop3A_43 : i32 to vector<16xi32>
      %parallel_loop3A_45 = arith.andi %parallel_loop3A_38, %parallel_loop3A_44 : vector<16xi32>
      %parallel_loop3A_46 = arith.constant 2 : i32
      %parallel_loop3A_47 = vector.broadcast %parallel_loop3A_46 : i32 to vector<16xi32>
      %parallel_loop3A_48 = arith.shli %parallel_loop3A_45, %parallel_loop3A_47 : vector<16xi32>
      %parallel_loop3A_49 = arith.addi %parallel_loop3A_48, %parallel_loop3A_42 : vector<16xi32>
      %parallel_loop3A_50 = arith.constant 3 : i32
      %parallel_loop3A_51 = vector.broadcast %parallel_loop3A_50 : i32 to vector<16xi32>
      %parallel_loop3A_52 = arith.shrsi %parallel_loop3A_38, %parallel_loop3A_51 : vector<16xi32>
      %parallel_loop3A_53 = arith.constant 4 : i32
      %parallel_loop3A_54 = vector.broadcast %parallel_loop3A_53 : i32 to vector<16xi32>
      %parallel_loop3A_55 = arith.shli %parallel_loop3A_52, %parallel_loop3A_54 : vector<16xi32>
      %parallel_loop3A_56 = arith.constant 15 : i32
      %parallel_loop3A_57 = vector.broadcast %parallel_loop3A_56 : i32 to vector<16xi32>
      %parallel_loop3A_58 = arith.andi %parallel_loop3A_49, %parallel_loop3A_57 : vector<16xi32>
      %parallel_loop3A_59 = arith.addi %parallel_loop3A_55, %parallel_loop3A_58 : vector<16xi32>
      %parallel_loop3A_60 = tpu.vector_load_idx %arg11[%parallel_loop3A_59, %parallel_loop3A_40] : memref<256x128xf32, #tpu.memory_space<vmem>>[vector<16xi32>, vector<16xi32>], vector<16xf32>,
      %parallel_loop3A_61 = vector.bitcast %parallel_loop3A_60 : vector<16xf32> to vector<16xi32>
      %parallel_loop3A_62 = arith.constant 16 : i32
      %parallel_loop3A_63 = vector.broadcast %parallel_loop3A_62 : i32 to vector<16xi32>
      %parallel_loop3A_64 = arith.cmpi sge, %parallel_loop3A_49, %parallel_loop3A_63 : vector<16xi32>
      %parallel_loop3A_65 = vector.broadcast %parallel_loop3A_33 : i32 to vector<16xi32>
      %parallel_loop3A_66 = arith.andi %parallel_loop3A_61, %parallel_loop3A_65 : vector<16xi32>
      %parallel_loop3A_67 = arith.constant 16 : i32
      %parallel_loop3A_68 = vector.broadcast %parallel_loop3A_67 : i32 to vector<16xi32>
      %parallel_loop3A_69 = arith.shli %parallel_loop3A_61, %parallel_loop3A_68 : vector<16xi32>
      %parallel_loop3A_70 = arith.select %parallel_loop3A_64, %parallel_loop3A_66, %parallel_loop3A_69 : vector<16xi1>, vector<16xi32>
      %parallel_loop3A_71 = vector.bitcast %parallel_loop3A_70 : vector<16xi32> to vector<16xf32>
      %parallel_loop3A_72 = tpu.vector_load_idx %arg12[%parallel_loop3A_42, %parallel_loop3A_38] : memref<8x128xf32, #tpu.memory_space<vmem>>[vector<16xi32>, vector<16xi32>], vector<16xf32>,
      %parallel_loop3A_73 = arith.addf %parallel_loop3A_71, %parallel_loop3A_72 : vector<16xf32>
      %parallel_loop3A_74 = arith.constant 8 : i32
      %parallel_loop3A_75 = arith.divsi %parallel_loop3A_34, %parallel_loop3A_74 : i32
      %parallel_loop3A_76 = arith.constant 0 : i32
      %parallel_loop3A_77 = arith.cmpi sgt, %parallel_loop3A_34, %parallel_loop3A_76 : i32
      %parallel_loop3A_78 = arith.extui %parallel_loop3A_77 : i1 to i32
      %parallel_loop3A_79 = arith.constant 0 : i32
      %parallel_loop3A_80 = arith.cmpi slt, %parallel_loop3A_34, %parallel_loop3A_79 : i32
      %parallel_loop3A_81 = arith.extui %parallel_loop3A_80 : i1 to i32
      %parallel_loop3A_82 = arith.subi %parallel_loop3A_78, %parallel_loop3A_81 : i32
      %parallel_loop3A_83 = arith.constant 0 : i32
      %parallel_loop3A_84 = arith.cmpi sgt, %parallel_loop3A_74, %parallel_loop3A_83 : i32
      %parallel_loop3A_85 = arith.extui %parallel_loop3A_84 : i1 to i32
      %parallel_loop3A_86 = arith.constant 0 : i32
      %parallel_loop3A_87 = arith.cmpi slt, %parallel_loop3A_74, %parallel_loop3A_86 : i32
      %parallel_loop3A_88 = arith.extui %parallel_loop3A_87 : i1 to i32
      %parallel_loop3A_89 = arith.subi %parallel_loop3A_85, %parallel_loop3A_88 : i32
      %parallel_loop3A_90 = arith.cmpi ne, %parallel_loop3A_82, %parallel_loop3A_89 : i32
      %parallel_loop3A_91 = arith.remsi %parallel_loop3A_34, %parallel_loop3A_74 : i32
      %parallel_loop3A_92 = arith.constant 0 : i32
      %parallel_loop3A_93 = arith.cmpi ne, %parallel_loop3A_91, %parallel_loop3A_92 : i32
      %parallel_loop3A_94 = arith.andi %parallel_loop3A_90, %parallel_loop3A_93 : i1
      %parallel_loop3A_95 = arith.constant 1 : i32
      %parallel_loop3A_96 = arith.subi %parallel_loop3A_75, %parallel_loop3A_95 : i32
      %parallel_loop3A_97 = arith.select %parallel_loop3A_94, %parallel_loop3A_96, %parallel_loop3A_75 : i32
      %parallel_loop3A_98 = arith.constant 8 : i32
      %parallel_loop3A_99 = arith.constant 0 : i32
      %parallel_loop3A_100 = arith.cmpi eq, %parallel_loop3A_98, %parallel_loop3A_99 : i32
      %parallel_loop3A_101 = arith.constant 1 : i32
      %parallel_loop3A_102 = arith.select %parallel_loop3A_100, %parallel_loop3A_101, %parallel_loop3A_98 : i32
      %parallel_loop3A_103 = arith.remsi %parallel_loop3A_34, %parallel_loop3A_102 : i32
      %parallel_loop3A_104 = arith.constant 0 : i32
      %parallel_loop3A_105 = arith.cmpi ne, %parallel_loop3A_103, %parallel_loop3A_104 : i32
      %parallel_loop3A_106 = arith.constant 0 : i32
      %parallel_loop3A_107 = arith.cmpi slt, %parallel_loop3A_103, %parallel_loop3A_106 : i32
      %parallel_loop3A_108 = arith.constant 0 : i32
      %parallel_loop3A_109 = arith.cmpi slt, %parallel_loop3A_102, %parallel_loop3A_108 : i32
      %parallel_loop3A_110 = arith.xori %parallel_loop3A_107, %parallel_loop3A_109 : i1
      %parallel_loop3A_111 = arith.andi %parallel_loop3A_110, %parallel_loop3A_105 : i1
      %parallel_loop3A_112 = arith.addi %parallel_loop3A_103, %parallel_loop3A_102 : i32
      %parallel_loop3A_113 = arith.select %parallel_loop3A_111, %parallel_loop3A_112, %parallel_loop3A_103 : i32
      %parallel_loop3A_114 = arith.constant 16 : i32
      %parallel_loop3A_115 = arith.muli %parallel_loop3A_113, %parallel_loop3A_114 : i32
      %parallel_loop3A_116 = arith.index_cast %parallel_loop3A_97 : i32 to index
      %parallel_loop3A_117 = arith.index_cast %parallel_loop3A_115 : i32 to index
      %parallel_loop3A_118 = tpu.vector_load %arg13[%parallel_loop3A_116, %parallel_loop3A_117] {strides = array<i32>} : memref<32x128xf32, #tpu.memory_space<vmem>>, vector<16xf32>,
      tpu.vector_store %arg13[%parallel_loop3A_116, %parallel_loop3A_117], %parallel_loop3A_73 {strides = array<i32>} : memref<32x128xf32, #tpu.memory_space<vmem>>, vector<16xf32>,
    } {sc.loop_unroll_factor = 4 : i64, sc.parallel_access}
    "tpu.region"() ({
      %run_scoped3A = tpu.sem_alloc : memref<!tpu.dma_semaphore, #tpu.memory_space<semaphore_mem>>
      %dma_start3A_34 = arith.constant 0 : i32
      %dma_start3A_35 = arith.constant 0 : i32
      %dma_start3A_36 = tpu.memref_slice %arg7[%add3A, %dma_start3A_34, %dma_start3A_35] : memref<32x32x128xf32, #tpu.memory_space<hbm>> -> memref<1x32x128xf32, #tpu.memory_space<hbm>>
      %dma_start3A_37 = tpu.memref_squeeze %dma_start3A_36 : memref<1x32x128xf32, #tpu.memory_space<hbm>> -> memref<32x128xf32, #tpu.memory_space<hbm>>
      %dma_start3A_38 = arith.constant 0 : i32
      %dma_start3A_39 = arith.constant 0 : i32
      %dma_start3A_40 = tpu.memref_slice %arg7[%add3A, %dma_start3A_38, %dma_start3A_39] : memref<32x32x128xf32, #tpu.memory_space<hbm>> -> memref<1x32x128xf32, #tpu.memory_space<hbm>>
      %dma_start3A_41 = tpu.memref_squeeze %dma_start3A_40 : memref<1x32x128xf32, #tpu.memory_space<hbm>> -> memref<32x128xf32, #tpu.memory_space<hbm>>
      tpu.enqueue_dma source(%arg13 : memref<32x128xf32, #tpu.memory_space<vmem>>) target(%dma_start3A_41 : memref<32x128xf32, #tpu.memory_space<hbm>>) target_semaphore(%run_scoped3A : memref<!tpu.dma_semaphore, #tpu.memory_space<semaphore_mem>>)
      %dma_wait3A_42 = arith.constant 0 : i32
      %dma_wait3A_43 = arith.constant 0 : i32
      %dma_wait3A_44 = tpu.memref_slice %arg7[%add3A, %dma_wait3A_42, %dma_wait3A_43] : memref<32x32x128xf32, #tpu.memory_space<hbm>> -> memref<1x32x128xf32, #tpu.memory_space<hbm>>
      %dma_wait3A_45 = tpu.memref_squeeze %dma_wait3A_44 : memref<1x32x128xf32, #tpu.memory_space<hbm>> -> memref<32x128xf32, #tpu.memory_space<hbm>>
      %dma_wait3A_46 = arith.constant 0 : i32
      %dma_wait3A_47 = arith.constant 0 : i32
      %dma_wait3A_48 = tpu.memref_slice %arg7[%add3A, %dma_wait3A_46, %dma_wait3A_47] : memref<32x32x128xf32, #tpu.memory_space<hbm>> -> memref<1x32x128xf32, #tpu.memory_space<hbm>>
      %dma_wait3A_49 = tpu.memref_squeeze %dma_wait3A_48 : memref<1x32x128xf32, #tpu.memory_space<hbm>> -> memref<32x128xf32, #tpu.memory_space<hbm>>
      tpu.wait_dma2 semaphore(%run_scoped3A : memref<!tpu.dma_semaphore, #tpu.memory_space<semaphore_mem>>) src(%arg13 : memref<32x128xf32, #tpu.memory_space<vmem>>) dst(%dma_wait3A_49 : memref<32x128xf32, #tpu.memory_space<hbm>>)
      tpu.yield
    }) : () -> ()
    return
  }
}

module attributes {stable_mosaic.version = 14 : i64} {
  func.func @_tc_body(%arg0: i32, %arg1: memref<1x64x16x128xf32, #tpu.memory_space<vmem>>, %arg2: memref<1x64x16x128xf32, #tpu.memory_space<vmem>>, %arg3: memref<1x128x256xf32, #tpu.memory_space<vmem>>, %arg4: memref<528x4xf32, #tpu.memory_space<vmem>>, %arg5: memref<1x4xf32, #tpu.memory_space<vmem>>, %arg6: memref<256x1xf32, #tpu.memory_space<vmem>>, %arg7: memref<1x1xf32, #tpu.memory_space<vmem>>, %arg8: memref<1x256x128xf32, #tpu.memory_space<vmem>>, %arg9: memref<1x8x128xf32, #tpu.memory_space<vmem>>, %arg10: memref<1x1x128xf32, #tpu.memory_space<vmem>>) attributes {dimension_semantics = [#tpu.dimension_semantics<arbitrary>], iteration_bounds = array<i64: 32>, scalar_prefetch = 0 : i64, scratch_operands = 0 : i64, tpu.core_type = #tpu.core_type<tc>, window_params = [{transform_indices = @transform_0, window_bounds = array<i64: 1, 64, 16, 128>}, {transform_indices = @transform_1, window_bounds = array<i64: 1, 64, 16, 128>}, {transform_indices = @transform_2, window_bounds = array<i64: 1, 128, 256>}, {pipeline_mode = #tpu.pipeline_mode<synchronous>, transform_indices = @transform_3, window_bounds = array<i64: 528, 4>}, {pipeline_mode = #tpu.pipeline_mode<synchronous>, transform_indices = @transform_4, window_bounds = array<i64: 1, 4>}, {pipeline_mode = #tpu.pipeline_mode<synchronous>, transform_indices = @transform_5, window_bounds = array<i64: 256, 1>}, {pipeline_mode = #tpu.pipeline_mode<synchronous>, transform_indices = @transform_6, window_bounds = array<i64: 1, 1>}, {transform_indices = @transform_7, window_bounds = array<i64: 1, 256, 128>}, {transform_indices = @transform_8, window_bounds = array<i64: 1, 8, 128>}, {transform_indices = @transform_9, window_bounds = array<i64: 1, 1, 128>}]} {
    %get3A = arith.constant 0 : index
    %get3A_0 = arith.constant 0 : index
    %get3A_1 = arith.constant 0 : index
    %get3A_2 = vector.load %arg3[%get3A, %get3A_0, %get3A_1] : memref<1x128x256xf32, #tpu.memory_space<vmem>>, vector<1x128x256xf32>
    %get3A_3 = vector.shape_cast %get3A_2 : vector<1x128x256xf32> to vector<128x256xf32>
    %get3A_4 = arith.constant 0 : index
    %get3A_5 = arith.constant 0 : index
    %get3A_6 = vector.load %arg4[%get3A_4, %get3A_5] : memref<528x4xf32, #tpu.memory_space<vmem>>, vector<256x4xf32>
    %dot_general3A = arith.constant dense<0.000000e+00> : vector<128x4xf32>
    %dot_general3A_7 = tpu.matmul %get3A_3, %get3A_6, %dot_general3A {dimension_numbers = #tpu.dot_dimension_numbers<[1], [0], [0], [1], [0, 0, 1, 1], [], []>, transpose_lhs_hint = false} : vector<128x256xf32>, vector<256x4xf32>, vector<128x4xf32> -> vector<128x4xf32>
    %get3A_8 = arith.constant 0 : index
    %get3A_9 = arith.constant 0 : index
    %get3A_10 = vector.load %arg5[%get3A_8, %get3A_9] : memref<1x4xf32, #tpu.memory_space<vmem>>, vector<1x4xf32>
    %add3A = vector.broadcast %get3A_10 : vector<1x4xf32> to vector<128x4xf32>
    %add3A_11 = arith.addf %dot_general3A_7, %add3A : vector<128x4xf32>
    %get3A_12 = arith.constant 256 : index
    %get3A_13 = arith.constant 0 : index
    %get3A_14 = vector.load %arg4[%get3A_12, %get3A_13] : memref<528x4xf32, #tpu.memory_space<vmem>>, vector<256x4xf32>
    %dot_general3A_15 = arith.constant dense<0.000000e+00> : vector<128x4xf32>
    %dot_general3A_16 = tpu.matmul %get3A_3, %get3A_14, %dot_general3A_15 {dimension_numbers = #tpu.dot_dimension_numbers<[1], [0], [0], [1], [0, 0, 1, 1], [], []>, transpose_lhs_hint = false} : vector<128x256xf32>, vector<256x4xf32>, vector<128x4xf32> -> vector<128x4xf32>
    %get3A_17 = arith.constant 0 : index
    %get3A_18 = arith.constant 0 : index
    %get3A_19 = vector.load %arg6[%get3A_17, %get3A_18] : memref<256x1xf32, #tpu.memory_space<vmem>>, vector<256x1xf32>
    %dot_general3A_20 = arith.constant dense<0.000000e+00> : vector<128x1xf32>
    %dot_general3A_21 = tpu.matmul %get3A_3, %get3A_19, %dot_general3A_20 {dimension_numbers = #tpu.dot_dimension_numbers<[1], [0], [0], [1], [0, 0, 1, 1], [], []>, transpose_lhs_hint = false} : vector<128x256xf32>, vector<256x1xf32>, vector<128x1xf32> -> vector<128x1xf32>
    %reduce_sum3A = vector.shape_cast %dot_general3A_21 : vector<128x1xf32> to vector<1x128x1xf32>
    %reduce_sum3A_22 = arith.constant dense<0.000000e+00> : vector<1xf32>
    %reduce_sum3A_23 = vector.multi_reduction <add>, %reduce_sum3A, %reduce_sum3A_22 [1, 2] : vector<1x128x1xf32> to vector<1xf32>
    %reduce_sum3A_24 = vector.shape_cast %reduce_sum3A_23 : vector<1xf32> to vector<1x1x1xf32>
    %reduce_sum3A_25 = vector.extract %reduce_sum3A_24[0, 0, 0] : f32 from vector<1x1x1xf32>
    %mul3A = arith.constant 7.812500e-03 : f32
    %mul3A_26 = arith.mulf %reduce_sum3A_25, %mul3A : f32
    %get3A_27 = arith.constant 0 : index
    %get3A_28 = arith.constant 0 : index
    %get3A_29 = vector.load %arg7[%get3A_27, %get3A_28] : memref<1x1xf32, #tpu.memory_space<vmem>>, vector<1x1xf32>
    %get3A_30 = vector.extract %get3A_29[0, 0] : f32 from vector<1x1xf32>
    %add3A_31 = arith.addf %mul3A_26, %get3A_30 : f32
    %broadcast_in_dim3A = vector.broadcast %add3A_31 : f32 to vector<1x1x128xf32>
    %swap3A = arith.constant 0 : index
    %swap3A_32 = arith.constant 0 : index
    %swap3A_33 = arith.constant 0 : index
    %swap3A_34 = vector.load %arg10[%swap3A, %swap3A_32, %swap3A_33] : memref<1x1x128xf32, #tpu.memory_space<vmem>>, vector<1x1x128xf32>
    tpu.vector_store %arg10[%swap3A, %swap3A_32, %swap3A_33], %broadcast_in_dim3A {strides = array<i32>} : memref<1x1x128xf32, #tpu.memory_space<vmem>>, vector<1x1x128xf32>,
    %transpose3A = tpu.transpose %add3A_11, [1, 0] : vector<128x4xf32> -> vector<4x128xf32>
    %swap3A_35 = arith.constant 0 : index
    %swap3A_36 = arith.constant 0 : index
    %swap3A_37 = arith.constant 0 : index
    %swap3A_38 = vector.load %arg9[%swap3A_35, %swap3A_36, %swap3A_37] : memref<1x8x128xf32, #tpu.memory_space<vmem>>, vector<1x4x128xf32>
    %swap3A_39 = vector.shape_cast %swap3A_38 : vector<1x4x128xf32> to vector<4x128xf32>
    %swap3A_40 = vector.shape_cast %transpose3A : vector<4x128xf32> to vector<1x4x128xf32>
    tpu.vector_store %arg9[%swap3A_35, %swap3A_36, %swap3A_37], %swap3A_40 {strides = array<i32>} : memref<1x8x128xf32, #tpu.memory_space<vmem>>, vector<1x4x128xf32>,
    %transpose3A_41 = tpu.transpose %dot_general3A_16, [1, 0] : vector<128x4xf32> -> vector<4x128xf32>
    %swap3A_42 = arith.constant 0 : index
    %swap3A_43 = arith.constant 4 : index
    %swap3A_44 = arith.constant 0 : index
    %swap3A_45 = vector.load %arg9[%swap3A_42, %swap3A_43, %swap3A_44] : memref<1x8x128xf32, #tpu.memory_space<vmem>>, vector<1x4x128xf32>
    %swap3A_46 = vector.shape_cast %swap3A_45 : vector<1x4x128xf32> to vector<4x128xf32>
    %swap3A_47 = vector.shape_cast %transpose3A_41 : vector<4x128xf32> to vector<1x4x128xf32>
    tpu.vector_store %arg9[%swap3A_42, %swap3A_43, %swap3A_44], %swap3A_47 {strides = array<i32>} : memref<1x8x128xf32, #tpu.memory_space<vmem>>, vector<1x4x128xf32>,
    %get3A_48 = arith.constant 512 : index
    %get3A_49 = arith.constant 0 : index
    %get3A_50 = vector.load %arg4[%get3A_48, %get3A_49] : memref<528x4xf32, #tpu.memory_space<vmem>>, vector<16x4xf32>
    %transpose3A_51 = tpu.transpose %get3A_50, [1, 0] : vector<16x4xf32> -> vector<4x16xf32>
    %iota3A = tpu.iota {dimensions = array<i32: 0>} : vector<32x128xi32>
    %iota3A_52 = tpu.iota {dimensions = array<i32: 1>} : vector<32x128xi32>
    %jit3A = arith.constant 4 : i32
    %div3A = vector.broadcast %jit3A : i32 to vector<32x128xi32>
    %div3A_53 = arith.divsi %iota3A, %div3A : vector<32x128xi32>
    %sign3A = arith.constant 0 : i32
    %sign3A_54 = vector.broadcast %sign3A : i32 to vector<32x128xi32>
    %sign3A_55 = arith.cmpi sgt, %iota3A, %sign3A_54 : vector<32x128xi32>
    %sign3A_56 = arith.extui %sign3A_55 : vector<32x128xi1> to vector<32x128xi32>
    %sign3A_57 = arith.constant 0 : i32
    %sign3A_58 = vector.broadcast %sign3A_57 : i32 to vector<32x128xi32>
    %sign3A_59 = arith.cmpi slt, %iota3A, %sign3A_58 : vector<32x128xi32>
    %sign3A_60 = arith.extui %sign3A_59 : vector<32x128xi1> to vector<32x128xi32>
    %sign3A_61 = arith.subi %sign3A_56, %sign3A_60 : vector<32x128xi32>
    %sign3A_62 = arith.constant 0 : i32
    %sign3A_63 = arith.cmpi sgt, %jit3A, %sign3A_62 : i32
    %sign3A_64 = arith.extui %sign3A_63 : i1 to i32
    %sign3A_65 = arith.constant 0 : i32
    %sign3A_66 = arith.cmpi slt, %jit3A, %sign3A_65 : i32
    %sign3A_67 = arith.extui %sign3A_66 : i1 to i32
    %sign3A_68 = arith.subi %sign3A_64, %sign3A_67 : i32
    %ne3A = vector.broadcast %sign3A_68 : i32 to vector<32x128xi32>
    %ne3A_69 = arith.cmpi ne, %sign3A_61, %ne3A : vector<32x128xi32>
    %rem3A = vector.broadcast %jit3A : i32 to vector<32x128xi32>
    %rem3A_70 = arith.remsi %iota3A, %rem3A : vector<32x128xi32>
    %ne3A_71 = arith.constant 0 : i32
    %ne3A_72 = vector.broadcast %ne3A_71 : i32 to vector<32x128xi32>
    %ne3A_73 = arith.cmpi ne, %rem3A_70, %ne3A_72 : vector<32x128xi32>
    %and3A = arith.andi %ne3A_69, %ne3A_73 : vector<32x128xi1>
    %sub3A = arith.constant 1 : i32
    %sub3A_74 = vector.broadcast %sub3A : i32 to vector<32x128xi32>
    %sub3A_75 = arith.subi %div3A_53, %sub3A_74 : vector<32x128xi32>
    %select_n3A = arith.select %and3A, %sub3A_75, %div3A_53 : vector<32x128xi1>, vector<32x128xi32>
    %jit3A_76 = arith.constant 16 : i32
    %div3A_77 = vector.broadcast %jit3A_76 : i32 to vector<32x128xi32>
    %div3A_78 = arith.divsi %iota3A_52, %div3A_77 : vector<32x128xi32>
    %sign3A_79 = arith.constant 0 : i32
    %sign3A_80 = vector.broadcast %sign3A_79 : i32 to vector<32x128xi32>
    %sign3A_81 = arith.cmpi sgt, %iota3A_52, %sign3A_80 : vector<32x128xi32>
    %sign3A_82 = arith.extui %sign3A_81 : vector<32x128xi1> to vector<32x128xi32>
    %sign3A_83 = arith.constant 0 : i32
    %sign3A_84 = vector.broadcast %sign3A_83 : i32 to vector<32x128xi32>
    %sign3A_85 = arith.cmpi slt, %iota3A_52, %sign3A_84 : vector<32x128xi32>
    %sign3A_86 = arith.extui %sign3A_85 : vector<32x128xi1> to vector<32x128xi32>
    %sign3A_87 = arith.subi %sign3A_82, %sign3A_86 : vector<32x128xi32>
    %sign3A_88 = arith.constant 0 : i32
    %sign3A_89 = arith.cmpi sgt, %jit3A_76, %sign3A_88 : i32
    %sign3A_90 = arith.extui %sign3A_89 : i1 to i32
    %sign3A_91 = arith.constant 0 : i32
    %sign3A_92 = arith.cmpi slt, %jit3A_76, %sign3A_91 : i32
    %sign3A_93 = arith.extui %sign3A_92 : i1 to i32
    %sign3A_94 = arith.subi %sign3A_90, %sign3A_93 : i32
    %ne3A_95 = vector.broadcast %sign3A_94 : i32 to vector<32x128xi32>
    %ne3A_96 = arith.cmpi ne, %sign3A_87, %ne3A_95 : vector<32x128xi32>
    %rem3A_97 = vector.broadcast %jit3A_76 : i32 to vector<32x128xi32>
    %rem3A_98 = arith.remsi %iota3A_52, %rem3A_97 : vector<32x128xi32>
    %ne3A_99 = arith.constant 0 : i32
    %ne3A_100 = vector.broadcast %ne3A_99 : i32 to vector<32x128xi32>
    %ne3A_101 = arith.cmpi ne, %rem3A_98, %ne3A_100 : vector<32x128xi32>
    %and3A_102 = arith.andi %ne3A_96, %ne3A_101 : vector<32x128xi1>
    %sub3A_103 = arith.constant 1 : i32
    %sub3A_104 = vector.broadcast %sub3A_103 : i32 to vector<32x128xi32>
    %sub3A_105 = arith.subi %div3A_78, %sub3A_104 : vector<32x128xi32>
    %select_n3A_106 = arith.select %and3A_102, %sub3A_105, %div3A_78 : vector<32x128xi1>, vector<32x128xi32>
    %eq3A = arith.cmpi eq, %select_n3A, %select_n3A_106 : vector<32x128xi32>
    %tile3A = tpu.concatenate %transpose3A_51, %transpose3A_51, %transpose3A_51, %transpose3A_51, %transpose3A_51, %transpose3A_51, %transpose3A_51, %transpose3A_51 in 0 : vector<4x16xf32>, vector<4x16xf32>, vector<4x16xf32>, vector<4x16xf32>, vector<4x16xf32>, vector<4x16xf32>, vector<4x16xf32>, vector<4x16xf32> -> vector<32x16xf32>
    %tile3A_107 = tpu.concatenate %tile3A, %tile3A, %tile3A, %tile3A, %tile3A, %tile3A, %tile3A, %tile3A in 1 : vector<32x16xf32>, vector<32x16xf32>, vector<32x16xf32>, vector<32x16xf32>, vector<32x16xf32>, vector<32x16xf32>, vector<32x16xf32>, vector<32x16xf32> -> vector<32x128xf32>
    %jit3A_108 = arith.constant 0.000000e+00 : f32
    %broadcast_in_dim3A_109 = vector.broadcast %jit3A_108 : f32 to vector<32x128xf32>
    %select_n3A_110 = arith.select %eq3A, %tile3A_107, %broadcast_in_dim3A_109 : vector<32x128xi1>, vector<32x128xf32>
    %transpose3A_111 = tpu.transpose %dot_general3A_16, [1, 0] : vector<128x4xf32> -> vector<4x128xf32>
    %broadcast_in_dim3A_112 = vector.shape_cast %transpose3A_111 : vector<4x128xf32> to vector<1x4x128xf32>
    %broadcast_in_dim3A_113 = vector.shape_cast %broadcast_in_dim3A_112 : vector<1x4x128xf32> to vector<1x4x128xf32>
    %broadcast_in_dim3A_114 = vector.broadcast %broadcast_in_dim3A_113 : vector<1x4x128xf32> to vector<8x4x128xf32>
    %reshape3A = vector.shape_cast %broadcast_in_dim3A_114 : vector<8x4x128xf32> to vector<32x128xf32>
    %get3A_115 = arith.constant 0 : index
    %get3A_116 = arith.constant 0 : index
    %get3A_117 = arith.constant 0 : index
    %get3A_118 = arith.constant 0 : index
    %get3A_119 = vector.load %arg1[%get3A_115, %get3A_116, %get3A_117, %get3A_118] : memref<1x64x16x128xf32, #tpu.memory_space<vmem>>, vector<1x8x16x128xf32>
    %get3A_120 = vector.shape_cast %get3A_119 : vector<1x8x16x128xf32> to vector<8x16x128xf32>
    %reshape3A_121 = vector.shape_cast %get3A_120 : vector<8x16x128xf32> to vector<128x128xf32>
    %dot_general3A_122 = arith.constant dense<0.000000e+00> : vector<32x128xf32>
    %dot_general3A_123 = tpu.matmul %select_n3A_110, %reshape3A_121, %dot_general3A_122 {dimension_numbers = #tpu.dot_dimension_numbers<[1], [0], [0], [1], [0, 0, 1, 1], [], []>, transpose_lhs_hint = false} : vector<32x128xf32>, vector<128x128xf32>, vector<32x128xf32> -> vector<32x128xf32>
    %add3A_124 = arith.addf %dot_general3A_123, %reshape3A : vector<32x128xf32>
    %convert_element_type3A = arith.truncf %add3A_124 : vector<32x128xf32> to vector<32x128xbf16>
    %convert_element_type3A_125 = arith.extf %convert_element_type3A : vector<32x128xbf16> to vector<32x128xf32>
    %bitcast_convert_type3A = tpu.bitcast %convert_element_type3A_125 : vector<32x128xf32> -> vector<32x128xi32>
    %slice3A = vector.extract_strided_slice %bitcast_convert_type3A {offsets = [16, 0], sizes = [16, 128], strides = [1, 1]} : vector<32x128xi32> to vector<16x128xi32>
    %slice3A_126 = vector.extract_strided_slice %bitcast_convert_type3A {offsets = [0, 0], sizes = [16, 128], strides = [1, 1]} : vector<32x128xi32> to vector<16x128xi32>
    %shift_right_logical3A = arith.constant 16 : i32
    %shift_right_logical3A_127 = vector.broadcast %shift_right_logical3A : i32 to vector<16x128xi32>
    %shift_right_logical3A_128 = arith.shrui %slice3A_126, %shift_right_logical3A_127 : vector<16x128xi32>
    %or3A = arith.ori %slice3A, %shift_right_logical3A_128 : vector<16x128xi32>
    %bitcast_convert_type3A_129 = tpu.bitcast %or3A : vector<16x128xi32> -> vector<16x128xf32>
    %swap3A_130 = arith.constant 0 : index
    %swap3A_131 = arith.constant 0 : index
    %swap3A_132 = arith.constant 0 : index
    %swap3A_133 = vector.load %arg8[%swap3A_130, %swap3A_131, %swap3A_132] : memref<1x256x128xf32, #tpu.memory_space<vmem>>, vector<1x16x128xf32>
    %swap3A_134 = vector.shape_cast %swap3A_133 : vector<1x16x128xf32> to vector<16x128xf32>
    %swap3A_135 = vector.shape_cast %bitcast_convert_type3A_129 : vector<16x128xf32> to vector<1x16x128xf32>
    tpu.vector_store %arg8[%swap3A_130, %swap3A_131, %swap3A_132], %swap3A_135 {strides = array<i32>} : memref<1x256x128xf32, #tpu.memory_space<vmem>>, vector<1x16x128xf32>,
    %get3A_136 = arith.constant 0 : index
    %get3A_137 = arith.constant 8 : index
    %get3A_138 = arith.constant 0 : index
    %get3A_139 = arith.constant 0 : index
    %get3A_140 = vector.load %arg1[%get3A_136, %get3A_137, %get3A_138, %get3A_139] : memref<1x64x16x128xf32, #tpu.memory_space<vmem>>, vector<1x8x16x128xf32>
    %get3A_141 = vector.shape_cast %get3A_140 : vector<1x8x16x128xf32> to vector<8x16x128xf32>
    %reshape3A_142 = vector.shape_cast %get3A_141 : vector<8x16x128xf32> to vector<128x128xf32>
    %dot_general3A_143 = arith.constant dense<0.000000e+00> : vector<32x128xf32>
    %dot_general3A_144 = tpu.matmul %select_n3A_110, %reshape3A_142, %dot_general3A_143 {dimension_numbers = #tpu.dot_dimension_numbers<[1], [0], [0], [1], [0, 0, 1, 1], [], []>, transpose_lhs_hint = false} : vector<32x128xf32>, vector<128x128xf32>, vector<32x128xf32> -> vector<32x128xf32>
    %add3A_145 = arith.addf %dot_general3A_144, %reshape3A : vector<32x128xf32>
    %convert_element_type3A_146 = arith.truncf %add3A_145 : vector<32x128xf32> to vector<32x128xbf16>
    %convert_element_type3A_147 = arith.extf %convert_element_type3A_146 : vector<32x128xbf16> to vector<32x128xf32>
    %bitcast_convert_type3A_148 = tpu.bitcast %convert_element_type3A_147 : vector<32x128xf32> -> vector<32x128xi32>
    %slice3A_149 = vector.extract_strided_slice %bitcast_convert_type3A_148 {offsets = [16, 0], sizes = [16, 128], strides = [1, 1]} : vector<32x128xi32> to vector<16x128xi32>
    %slice3A_150 = vector.extract_strided_slice %bitcast_convert_type3A_148 {offsets = [0, 0], sizes = [16, 128], strides = [1, 1]} : vector<32x128xi32> to vector<16x128xi32>
    %shift_right_logical3A_151 = arith.constant 16 : i32
    %shift_right_logical3A_152 = vector.broadcast %shift_right_logical3A_151 : i32 to vector<16x128xi32>
    %shift_right_logical3A_153 = arith.shrui %slice3A_150, %shift_right_logical3A_152 : vector<16x128xi32>
    %or3A_154 = arith.ori %slice3A_149, %shift_right_logical3A_153 : vector<16x128xi32>
    %bitcast_convert_type3A_155 = tpu.bitcast %or3A_154 : vector<16x128xi32> -> vector<16x128xf32>
    %swap3A_156 = arith.constant 0 : index
    %swap3A_157 = arith.constant 16 : index
    %swap3A_158 = arith.constant 0 : index
    %swap3A_159 = vector.load %arg8[%swap3A_156, %swap3A_157, %swap3A_158] : memref<1x256x128xf32, #tpu.memory_space<vmem>>, vector<1x16x128xf32>
    %swap3A_160 = vector.shape_cast %swap3A_159 : vector<1x16x128xf32> to vector<16x128xf32>
    %swap3A_161 = vector.shape_cast %bitcast_convert_type3A_155 : vector<16x128xf32> to vector<1x16x128xf32>
    tpu.vector_store %arg8[%swap3A_156, %swap3A_157, %swap3A_158], %swap3A_161 {strides = array<i32>} : memref<1x256x128xf32, #tpu.memory_space<vmem>>, vector<1x16x128xf32>,
    %get3A_162 = arith.constant 0 : index
    %get3A_163 = arith.constant 16 : index
    %get3A_164 = arith.constant 0 : index
    %get3A_165 = arith.constant 0 : index
    %get3A_166 = vector.load %arg1[%get3A_162, %get3A_163, %get3A_164, %get3A_165] : memref<1x64x16x128xf32, #tpu.memory_space<vmem>>, vector<1x8x16x128xf32>
    %get3A_167 = vector.shape_cast %get3A_166 : vector<1x8x16x128xf32> to vector<8x16x128xf32>
    %reshape3A_168 = vector.shape_cast %get3A_167 : vector<8x16x128xf32> to vector<128x128xf32>
    %dot_general3A_169 = arith.constant dense<0.000000e+00> : vector<32x128xf32>
    %dot_general3A_170 = tpu.matmul %select_n3A_110, %reshape3A_168, %dot_general3A_169 {dimension_numbers = #tpu.dot_dimension_numbers<[1], [0], [0], [1], [0, 0, 1, 1], [], []>, transpose_lhs_hint = false} : vector<32x128xf32>, vector<128x128xf32>, vector<32x128xf32> -> vector<32x128xf32>
    %add3A_171 = arith.addf %dot_general3A_170, %reshape3A : vector<32x128xf32>
    %convert_element_type3A_172 = arith.truncf %add3A_171 : vector<32x128xf32> to vector<32x128xbf16>
    %convert_element_type3A_173 = arith.extf %convert_element_type3A_172 : vector<32x128xbf16> to vector<32x128xf32>
    %bitcast_convert_type3A_174 = tpu.bitcast %convert_element_type3A_173 : vector<32x128xf32> -> vector<32x128xi32>
    %slice3A_175 = vector.extract_strided_slice %bitcast_convert_type3A_174 {offsets = [16, 0], sizes = [16, 128], strides = [1, 1]} : vector<32x128xi32> to vector<16x128xi32>
    %slice3A_176 = vector.extract_strided_slice %bitcast_convert_type3A_174 {offsets = [0, 0], sizes = [16, 128], strides = [1, 1]} : vector<32x128xi32> to vector<16x128xi32>
    %shift_right_logical3A_177 = arith.constant 16 : i32
    %shift_right_logical3A_178 = vector.broadcast %shift_right_logical3A_177 : i32 to vector<16x128xi32>
    %shift_right_logical3A_179 = arith.shrui %slice3A_176, %shift_right_logical3A_178 : vector<16x128xi32>
    %or3A_180 = arith.ori %slice3A_175, %shift_right_logical3A_179 : vector<16x128xi32>
    %bitcast_convert_type3A_181 = tpu.bitcast %or3A_180 : vector<16x128xi32> -> vector<16x128xf32>
    %swap3A_182 = arith.constant 0 : index
    %swap3A_183 = arith.constant 32 : index
    %swap3A_184 = arith.constant 0 : index
    %swap3A_185 = vector.load %arg8[%swap3A_182, %swap3A_183, %swap3A_184] : memref<1x256x128xf32, #tpu.memory_space<vmem>>, vector<1x16x128xf32>
    %swap3A_186 = vector.shape_cast %swap3A_185 : vector<1x16x128xf32> to vector<16x128xf32>
    %swap3A_187 = vector.shape_cast %bitcast_convert_type3A_181 : vector<16x128xf32> to vector<1x16x128xf32>
    tpu.vector_store %arg8[%swap3A_182, %swap3A_183, %swap3A_184], %swap3A_187 {strides = array<i32>} : memref<1x256x128xf32, #tpu.memory_space<vmem>>, vector<1x16x128xf32>,
    %get3A_188 = arith.constant 0 : index
    %get3A_189 = arith.constant 24 : index
    %get3A_190 = arith.constant 0 : index
    %get3A_191 = arith.constant 0 : index
    %get3A_192 = vector.load %arg1[%get3A_188, %get3A_189, %get3A_190, %get3A_191] : memref<1x64x16x128xf32, #tpu.memory_space<vmem>>, vector<1x8x16x128xf32>
    %get3A_193 = vector.shape_cast %get3A_192 : vector<1x8x16x128xf32> to vector<8x16x128xf32>
    %reshape3A_194 = vector.shape_cast %get3A_193 : vector<8x16x128xf32> to vector<128x128xf32>
    %dot_general3A_195 = arith.constant dense<0.000000e+00> : vector<32x128xf32>
    %dot_general3A_196 = tpu.matmul %select_n3A_110, %reshape3A_194, %dot_general3A_195 {dimension_numbers = #tpu.dot_dimension_numbers<[1], [0], [0], [1], [0, 0, 1, 1], [], []>, transpose_lhs_hint = false} : vector<32x128xf32>, vector<128x128xf32>, vector<32x128xf32> -> vector<32x128xf32>
    %add3A_197 = arith.addf %dot_general3A_196, %reshape3A : vector<32x128xf32>
    %convert_element_type3A_198 = arith.truncf %add3A_197 : vector<32x128xf32> to vector<32x128xbf16>
    %convert_element_type3A_199 = arith.extf %convert_element_type3A_198 : vector<32x128xbf16> to vector<32x128xf32>
    %bitcast_convert_type3A_200 = tpu.bitcast %convert_element_type3A_199 : vector<32x128xf32> -> vector<32x128xi32>
    %slice3A_201 = vector.extract_strided_slice %bitcast_convert_type3A_200 {offsets = [16, 0], sizes = [16, 128], strides = [1, 1]} : vector<32x128xi32> to vector<16x128xi32>
    %slice3A_202 = vector.extract_strided_slice %bitcast_convert_type3A_200 {offsets = [0, 0], sizes = [16, 128], strides = [1, 1]} : vector<32x128xi32> to vector<16x128xi32>
    %shift_right_logical3A_203 = arith.constant 16 : i32
    %shift_right_logical3A_204 = vector.broadcast %shift_right_logical3A_203 : i32 to vector<16x128xi32>
    %shift_right_logical3A_205 = arith.shrui %slice3A_202, %shift_right_logical3A_204 : vector<16x128xi32>
    %or3A_206 = arith.ori %slice3A_201, %shift_right_logical3A_205 : vector<16x128xi32>
    %bitcast_convert_type3A_207 = tpu.bitcast %or3A_206 : vector<16x128xi32> -> vector<16x128xf32>
    %swap3A_208 = arith.constant 0 : index
    %swap3A_209 = arith.constant 48 : index
    %swap3A_210 = arith.constant 0 : index
    %swap3A_211 = vector.load %arg8[%swap3A_208, %swap3A_209, %swap3A_210] : memref<1x256x128xf32, #tpu.memory_space<vmem>>, vector<1x16x128xf32>
    %swap3A_212 = vector.shape_cast %swap3A_211 : vector<1x16x128xf32> to vector<16x128xf32>
    %swap3A_213 = vector.shape_cast %bitcast_convert_type3A_207 : vector<16x128xf32> to vector<1x16x128xf32>
    tpu.vector_store %arg8[%swap3A_208, %swap3A_209, %swap3A_210], %swap3A_213 {strides = array<i32>} : memref<1x256x128xf32, #tpu.memory_space<vmem>>, vector<1x16x128xf32>,
    %get3A_214 = arith.constant 0 : index
    %get3A_215 = arith.constant 32 : index
    %get3A_216 = arith.constant 0 : index
    %get3A_217 = arith.constant 0 : index
    %get3A_218 = vector.load %arg1[%get3A_214, %get3A_215, %get3A_216, %get3A_217] : memref<1x64x16x128xf32, #tpu.memory_space<vmem>>, vector<1x8x16x128xf32>
    %get3A_219 = vector.shape_cast %get3A_218 : vector<1x8x16x128xf32> to vector<8x16x128xf32>
    %reshape3A_220 = vector.shape_cast %get3A_219 : vector<8x16x128xf32> to vector<128x128xf32>
    %dot_general3A_221 = arith.constant dense<0.000000e+00> : vector<32x128xf32>
    %dot_general3A_222 = tpu.matmul %select_n3A_110, %reshape3A_220, %dot_general3A_221 {dimension_numbers = #tpu.dot_dimension_numbers<[1], [0], [0], [1], [0, 0, 1, 1], [], []>, transpose_lhs_hint = false} : vector<32x128xf32>, vector<128x128xf32>, vector<32x128xf32> -> vector<32x128xf32>
    %add3A_223 = arith.addf %dot_general3A_222, %reshape3A : vector<32x128xf32>
    %convert_element_type3A_224 = arith.truncf %add3A_223 : vector<32x128xf32> to vector<32x128xbf16>
    %convert_element_type3A_225 = arith.extf %convert_element_type3A_224 : vector<32x128xbf16> to vector<32x128xf32>
    %bitcast_convert_type3A_226 = tpu.bitcast %convert_element_type3A_225 : vector<32x128xf32> -> vector<32x128xi32>
    %slice3A_227 = vector.extract_strided_slice %bitcast_convert_type3A_226 {offsets = [16, 0], sizes = [16, 128], strides = [1, 1]} : vector<32x128xi32> to vector<16x128xi32>
    %slice3A_228 = vector.extract_strided_slice %bitcast_convert_type3A_226 {offsets = [0, 0], sizes = [16, 128], strides = [1, 1]} : vector<32x128xi32> to vector<16x128xi32>
    %shift_right_logical3A_229 = arith.constant 16 : i32
    %shift_right_logical3A_230 = vector.broadcast %shift_right_logical3A_229 : i32 to vector<16x128xi32>
    %shift_right_logical3A_231 = arith.shrui %slice3A_228, %shift_right_logical3A_230 : vector<16x128xi32>
    %or3A_232 = arith.ori %slice3A_227, %shift_right_logical3A_231 : vector<16x128xi32>
    %bitcast_convert_type3A_233 = tpu.bitcast %or3A_232 : vector<16x128xi32> -> vector<16x128xf32>
    %swap3A_234 = arith.constant 0 : index
    %swap3A_235 = arith.constant 64 : index
    %swap3A_236 = arith.constant 0 : index
    %swap3A_237 = vector.load %arg8[%swap3A_234, %swap3A_235, %swap3A_236] : memref<1x256x128xf32, #tpu.memory_space<vmem>>, vector<1x16x128xf32>
    %swap3A_238 = vector.shape_cast %swap3A_237 : vector<1x16x128xf32> to vector<16x128xf32>
    %swap3A_239 = vector.shape_cast %bitcast_convert_type3A_233 : vector<16x128xf32> to vector<1x16x128xf32>
    tpu.vector_store %arg8[%swap3A_234, %swap3A_235, %swap3A_236], %swap3A_239 {strides = array<i32>} : memref<1x256x128xf32, #tpu.memory_space<vmem>>, vector<1x16x128xf32>,
    %get3A_240 = arith.constant 0 : index
    %get3A_241 = arith.constant 40 : index
    %get3A_242 = arith.constant 0 : index
    %get3A_243 = arith.constant 0 : index
    %get3A_244 = vector.load %arg1[%get3A_240, %get3A_241, %get3A_242, %get3A_243] : memref<1x64x16x128xf32, #tpu.memory_space<vmem>>, vector<1x8x16x128xf32>
    %get3A_245 = vector.shape_cast %get3A_244 : vector<1x8x16x128xf32> to vector<8x16x128xf32>
    %reshape3A_246 = vector.shape_cast %get3A_245 : vector<8x16x128xf32> to vector<128x128xf32>
    %dot_general3A_247 = arith.constant dense<0.000000e+00> : vector<32x128xf32>
    %dot_general3A_248 = tpu.matmul %select_n3A_110, %reshape3A_246, %dot_general3A_247 {dimension_numbers = #tpu.dot_dimension_numbers<[1], [0], [0], [1], [0, 0, 1, 1], [], []>, transpose_lhs_hint = false} : vector<32x128xf32>, vector<128x128xf32>, vector<32x128xf32> -> vector<32x128xf32>
    %add3A_249 = arith.addf %dot_general3A_248, %reshape3A : vector<32x128xf32>
    %convert_element_type3A_250 = arith.truncf %add3A_249 : vector<32x128xf32> to vector<32x128xbf16>
    %convert_element_type3A_251 = arith.extf %convert_element_type3A_250 : vector<32x128xbf16> to vector<32x128xf32>
    %bitcast_convert_type3A_252 = tpu.bitcast %convert_element_type3A_251 : vector<32x128xf32> -> vector<32x128xi32>
    %slice3A_253 = vector.extract_strided_slice %bitcast_convert_type3A_252 {offsets = [16, 0], sizes = [16, 128], strides = [1, 1]} : vector<32x128xi32> to vector<16x128xi32>
    %slice3A_254 = vector.extract_strided_slice %bitcast_convert_type3A_252 {offsets = [0, 0], sizes = [16, 128], strides = [1, 1]} : vector<32x128xi32> to vector<16x128xi32>
    %shift_right_logical3A_255 = arith.constant 16 : i32
    %shift_right_logical3A_256 = vector.broadcast %shift_right_logical3A_255 : i32 to vector<16x128xi32>
    %shift_right_logical3A_257 = arith.shrui %slice3A_254, %shift_right_logical3A_256 : vector<16x128xi32>
    %or3A_258 = arith.ori %slice3A_253, %shift_right_logical3A_257 : vector<16x128xi32>
    %bitcast_convert_type3A_259 = tpu.bitcast %or3A_258 : vector<16x128xi32> -> vector<16x128xf32>
    %swap3A_260 = arith.constant 0 : index
    %swap3A_261 = arith.constant 80 : index
    %swap3A_262 = arith.constant 0 : index
    %swap3A_263 = vector.load %arg8[%swap3A_260, %swap3A_261, %swap3A_262] : memref<1x256x128xf32, #tpu.memory_space<vmem>>, vector<1x16x128xf32>
    %swap3A_264 = vector.shape_cast %swap3A_263 : vector<1x16x128xf32> to vector<16x128xf32>
    %swap3A_265 = vector.shape_cast %bitcast_convert_type3A_259 : vector<16x128xf32> to vector<1x16x128xf32>
    tpu.vector_store %arg8[%swap3A_260, %swap3A_261, %swap3A_262], %swap3A_265 {strides = array<i32>} : memref<1x256x128xf32, #tpu.memory_space<vmem>>, vector<1x16x128xf32>,
    %get3A_266 = arith.constant 0 : index
    %get3A_267 = arith.constant 48 : index
    %get3A_268 = arith.constant 0 : index
    %get3A_269 = arith.constant 0 : index
    %get3A_270 = vector.load %arg1[%get3A_266, %get3A_267, %get3A_268, %get3A_269] : memref<1x64x16x128xf32, #tpu.memory_space<vmem>>, vector<1x8x16x128xf32>
    %get3A_271 = vector.shape_cast %get3A_270 : vector<1x8x16x128xf32> to vector<8x16x128xf32>
    %reshape3A_272 = vector.shape_cast %get3A_271 : vector<8x16x128xf32> to vector<128x128xf32>
    %dot_general3A_273 = arith.constant dense<0.000000e+00> : vector<32x128xf32>
    %dot_general3A_274 = tpu.matmul %select_n3A_110, %reshape3A_272, %dot_general3A_273 {dimension_numbers = #tpu.dot_dimension_numbers<[1], [0], [0], [1], [0, 0, 1, 1], [], []>, transpose_lhs_hint = false} : vector<32x128xf32>, vector<128x128xf32>, vector<32x128xf32> -> vector<32x128xf32>
    %add3A_275 = arith.addf %dot_general3A_274, %reshape3A : vector<32x128xf32>
    %convert_element_type3A_276 = arith.truncf %add3A_275 : vector<32x128xf32> to vector<32x128xbf16>
    %convert_element_type3A_277 = arith.extf %convert_element_type3A_276 : vector<32x128xbf16> to vector<32x128xf32>
    %bitcast_convert_type3A_278 = tpu.bitcast %convert_element_type3A_277 : vector<32x128xf32> -> vector<32x128xi32>
    %slice3A_279 = vector.extract_strided_slice %bitcast_convert_type3A_278 {offsets = [16, 0], sizes = [16, 128], strides = [1, 1]} : vector<32x128xi32> to vector<16x128xi32>
    %slice3A_280 = vector.extract_strided_slice %bitcast_convert_type3A_278 {offsets = [0, 0], sizes = [16, 128], strides = [1, 1]} : vector<32x128xi32> to vector<16x128xi32>
    %shift_right_logical3A_281 = arith.constant 16 : i32
    %shift_right_logical3A_282 = vector.broadcast %shift_right_logical3A_281 : i32 to vector<16x128xi32>
    %shift_right_logical3A_283 = arith.shrui %slice3A_280, %shift_right_logical3A_282 : vector<16x128xi32>
    %or3A_284 = arith.ori %slice3A_279, %shift_right_logical3A_283 : vector<16x128xi32>
    %bitcast_convert_type3A_285 = tpu.bitcast %or3A_284 : vector<16x128xi32> -> vector<16x128xf32>
    %swap3A_286 = arith.constant 0 : index
    %swap3A_287 = arith.constant 96 : index
    %swap3A_288 = arith.constant 0 : index
    %swap3A_289 = vector.load %arg8[%swap3A_286, %swap3A_287, %swap3A_288] : memref<1x256x128xf32, #tpu.memory_space<vmem>>, vector<1x16x128xf32>
    %swap3A_290 = vector.shape_cast %swap3A_289 : vector<1x16x128xf32> to vector<16x128xf32>
    %swap3A_291 = vector.shape_cast %bitcast_convert_type3A_285 : vector<16x128xf32> to vector<1x16x128xf32>
    tpu.vector_store %arg8[%swap3A_286, %swap3A_287, %swap3A_288], %swap3A_291 {strides = array<i32>} : memref<1x256x128xf32, #tpu.memory_space<vmem>>, vector<1x16x128xf32>,
    %get3A_292 = arith.constant 0 : index
    %get3A_293 = arith.constant 56 : index
    %get3A_294 = arith.constant 0 : index
    %get3A_295 = arith.constant 0 : index
    %get3A_296 = vector.load %arg1[%get3A_292, %get3A_293, %get3A_294, %get3A_295] : memref<1x64x16x128xf32, #tpu.memory_space<vmem>>, vector<1x8x16x128xf32>
    %get3A_297 = vector.shape_cast %get3A_296 : vector<1x8x16x128xf32> to vector<8x16x128xf32>
    %reshape3A_298 = vector.shape_cast %get3A_297 : vector<8x16x128xf32> to vector<128x128xf32>
    %dot_general3A_299 = arith.constant dense<0.000000e+00> : vector<32x128xf32>
    %dot_general3A_300 = tpu.matmul %select_n3A_110, %reshape3A_298, %dot_general3A_299 {dimension_numbers = #tpu.dot_dimension_numbers<[1], [0], [0], [1], [0, 0, 1, 1], [], []>, transpose_lhs_hint = false} : vector<32x128xf32>, vector<128x128xf32>, vector<32x128xf32> -> vector<32x128xf32>
    %add3A_301 = arith.addf %dot_general3A_300, %reshape3A : vector<32x128xf32>
    %convert_element_type3A_302 = arith.truncf %add3A_301 : vector<32x128xf32> to vector<32x128xbf16>
    %convert_element_type3A_303 = arith.extf %convert_element_type3A_302 : vector<32x128xbf16> to vector<32x128xf32>
    %bitcast_convert_type3A_304 = tpu.bitcast %convert_element_type3A_303 : vector<32x128xf32> -> vector<32x128xi32>
    %slice3A_305 = vector.extract_strided_slice %bitcast_convert_type3A_304 {offsets = [16, 0], sizes = [16, 128], strides = [1, 1]} : vector<32x128xi32> to vector<16x128xi32>
    %slice3A_306 = vector.extract_strided_slice %bitcast_convert_type3A_304 {offsets = [0, 0], sizes = [16, 128], strides = [1, 1]} : vector<32x128xi32> to vector<16x128xi32>
    %shift_right_logical3A_307 = arith.constant 16 : i32
    %shift_right_logical3A_308 = vector.broadcast %shift_right_logical3A_307 : i32 to vector<16x128xi32>
    %shift_right_logical3A_309 = arith.shrui %slice3A_306, %shift_right_logical3A_308 : vector<16x128xi32>
    %or3A_310 = arith.ori %slice3A_305, %shift_right_logical3A_309 : vector<16x128xi32>
    %bitcast_convert_type3A_311 = tpu.bitcast %or3A_310 : vector<16x128xi32> -> vector<16x128xf32>
    %swap3A_312 = arith.constant 0 : index
    %swap3A_313 = arith.constant 112 : index
    %swap3A_314 = arith.constant 0 : index
    %swap3A_315 = vector.load %arg8[%swap3A_312, %swap3A_313, %swap3A_314] : memref<1x256x128xf32, #tpu.memory_space<vmem>>, vector<1x16x128xf32>
    %swap3A_316 = vector.shape_cast %swap3A_315 : vector<1x16x128xf32> to vector<16x128xf32>
    %swap3A_317 = vector.shape_cast %bitcast_convert_type3A_311 : vector<16x128xf32> to vector<1x16x128xf32>
    tpu.vector_store %arg8[%swap3A_312, %swap3A_313, %swap3A_314], %swap3A_317 {strides = array<i32>} : memref<1x256x128xf32, #tpu.memory_space<vmem>>, vector<1x16x128xf32>,
    %get3A_318 = arith.constant 0 : index
    %get3A_319 = arith.constant 0 : index
    %get3A_320 = arith.constant 0 : index
    %get3A_321 = arith.constant 0 : index
    %get3A_322 = vector.load %arg2[%get3A_318, %get3A_319, %get3A_320, %get3A_321] : memref<1x64x16x128xf32, #tpu.memory_space<vmem>>, vector<1x8x16x128xf32>
    %get3A_323 = vector.shape_cast %get3A_322 : vector<1x8x16x128xf32> to vector<8x16x128xf32>
    %reshape3A_324 = vector.shape_cast %get3A_323 : vector<8x16x128xf32> to vector<128x128xf32>
    %dot_general3A_325 = arith.constant dense<0.000000e+00> : vector<32x128xf32>
    %dot_general3A_326 = tpu.matmul %select_n3A_110, %reshape3A_324, %dot_general3A_325 {dimension_numbers = #tpu.dot_dimension_numbers<[1], [0], [0], [1], [0, 0, 1, 1], [], []>, transpose_lhs_hint = false} : vector<32x128xf32>, vector<128x128xf32>, vector<32x128xf32> -> vector<32x128xf32>
    %add3A_327 = arith.addf %dot_general3A_326, %reshape3A : vector<32x128xf32>
    %convert_element_type3A_328 = arith.truncf %add3A_327 : vector<32x128xf32> to vector<32x128xbf16>
    %convert_element_type3A_329 = arith.extf %convert_element_type3A_328 : vector<32x128xbf16> to vector<32x128xf32>
    %bitcast_convert_type3A_330 = tpu.bitcast %convert_element_type3A_329 : vector<32x128xf32> -> vector<32x128xi32>
    %slice3A_331 = vector.extract_strided_slice %bitcast_convert_type3A_330 {offsets = [16, 0], sizes = [16, 128], strides = [1, 1]} : vector<32x128xi32> to vector<16x128xi32>
    %slice3A_332 = vector.extract_strided_slice %bitcast_convert_type3A_330 {offsets = [0, 0], sizes = [16, 128], strides = [1, 1]} : vector<32x128xi32> to vector<16x128xi32>
    %shift_right_logical3A_333 = arith.constant 16 : i32
    %shift_right_logical3A_334 = vector.broadcast %shift_right_logical3A_333 : i32 to vector<16x128xi32>
    %shift_right_logical3A_335 = arith.shrui %slice3A_332, %shift_right_logical3A_334 : vector<16x128xi32>
    %or3A_336 = arith.ori %slice3A_331, %shift_right_logical3A_335 : vector<16x128xi32>
    %bitcast_convert_type3A_337 = tpu.bitcast %or3A_336 : vector<16x128xi32> -> vector<16x128xf32>
    %swap3A_338 = arith.constant 0 : index
    %swap3A_339 = arith.constant 128 : index
    %swap3A_340 = arith.constant 0 : index
    %swap3A_341 = vector.load %arg8[%swap3A_338, %swap3A_339, %swap3A_340] : memref<1x256x128xf32, #tpu.memory_space<vmem>>, vector<1x16x128xf32>
    %swap3A_342 = vector.shape_cast %swap3A_341 : vector<1x16x128xf32> to vector<16x128xf32>
    %swap3A_343 = vector.shape_cast %bitcast_convert_type3A_337 : vector<16x128xf32> to vector<1x16x128xf32>
    tpu.vector_store %arg8[%swap3A_338, %swap3A_339, %swap3A_340], %swap3A_343 {strides = array<i32>} : memref<1x256x128xf32, #tpu.memory_space<vmem>>, vector<1x16x128xf32>,
    %get3A_344 = arith.constant 0 : index
    %get3A_345 = arith.constant 8 : index
    %get3A_346 = arith.constant 0 : index
    %get3A_347 = arith.constant 0 : index
    %get3A_348 = vector.load %arg2[%get3A_344, %get3A_345, %get3A_346, %get3A_347] : memref<1x64x16x128xf32, #tpu.memory_space<vmem>>, vector<1x8x16x128xf32>
    %get3A_349 = vector.shape_cast %get3A_348 : vector<1x8x16x128xf32> to vector<8x16x128xf32>
    %reshape3A_350 = vector.shape_cast %get3A_349 : vector<8x16x128xf32> to vector<128x128xf32>
    %dot_general3A_351 = arith.constant dense<0.000000e+00> : vector<32x128xf32>
    %dot_general3A_352 = tpu.matmul %select_n3A_110, %reshape3A_350, %dot_general3A_351 {dimension_numbers = #tpu.dot_dimension_numbers<[1], [0], [0], [1], [0, 0, 1, 1], [], []>, transpose_lhs_hint = false} : vector<32x128xf32>, vector<128x128xf32>, vector<32x128xf32> -> vector<32x128xf32>
    %add3A_353 = arith.addf %dot_general3A_352, %reshape3A : vector<32x128xf32>
    %convert_element_type3A_354 = arith.truncf %add3A_353 : vector<32x128xf32> to vector<32x128xbf16>
    %convert_element_type3A_355 = arith.extf %convert_element_type3A_354 : vector<32x128xbf16> to vector<32x128xf32>
    %bitcast_convert_type3A_356 = tpu.bitcast %convert_element_type3A_355 : vector<32x128xf32> -> vector<32x128xi32>
    %slice3A_357 = vector.extract_strided_slice %bitcast_convert_type3A_356 {offsets = [16, 0], sizes = [16, 128], strides = [1, 1]} : vector<32x128xi32> to vector<16x128xi32>
    %slice3A_358 = vector.extract_strided_slice %bitcast_convert_type3A_356 {offsets = [0, 0], sizes = [16, 128], strides = [1, 1]} : vector<32x128xi32> to vector<16x128xi32>
    %shift_right_logical3A_359 = arith.constant 16 : i32
    %shift_right_logical3A_360 = vector.broadcast %shift_right_logical3A_359 : i32 to vector<16x128xi32>
    %shift_right_logical3A_361 = arith.shrui %slice3A_358, %shift_right_logical3A_360 : vector<16x128xi32>
    %or3A_362 = arith.ori %slice3A_357, %shift_right_logical3A_361 : vector<16x128xi32>
    %bitcast_convert_type3A_363 = tpu.bitcast %or3A_362 : vector<16x128xi32> -> vector<16x128xf32>
    %swap3A_364 = arith.constant 0 : index
    %swap3A_365 = arith.constant 144 : index
    %swap3A_366 = arith.constant 0 : index
    %swap3A_367 = vector.load %arg8[%swap3A_364, %swap3A_365, %swap3A_366] : memref<1x256x128xf32, #tpu.memory_space<vmem>>, vector<1x16x128xf32>
    %swap3A_368 = vector.shape_cast %swap3A_367 : vector<1x16x128xf32> to vector<16x128xf32>
    %swap3A_369 = vector.shape_cast %bitcast_convert_type3A_363 : vector<16x128xf32> to vector<1x16x128xf32>
    tpu.vector_store %arg8[%swap3A_364, %swap3A_365, %swap3A_366], %swap3A_369 {strides = array<i32>} : memref<1x256x128xf32, #tpu.memory_space<vmem>>, vector<1x16x128xf32>,
    %get3A_370 = arith.constant 0 : index
    %get3A_371 = arith.constant 16 : index
    %get3A_372 = arith.constant 0 : index
    %get3A_373 = arith.constant 0 : index
    %get3A_374 = vector.load %arg2[%get3A_370, %get3A_371, %get3A_372, %get3A_373] : memref<1x64x16x128xf32, #tpu.memory_space<vmem>>, vector<1x8x16x128xf32>
    %get3A_375 = vector.shape_cast %get3A_374 : vector<1x8x16x128xf32> to vector<8x16x128xf32>
    %reshape3A_376 = vector.shape_cast %get3A_375 : vector<8x16x128xf32> to vector<128x128xf32>
    %dot_general3A_377 = arith.constant dense<0.000000e+00> : vector<32x128xf32>
    %dot_general3A_378 = tpu.matmul %select_n3A_110, %reshape3A_376, %dot_general3A_377 {dimension_numbers = #tpu.dot_dimension_numbers<[1], [0], [0], [1], [0, 0, 1, 1], [], []>, transpose_lhs_hint = false} : vector<32x128xf32>, vector<128x128xf32>, vector<32x128xf32> -> vector<32x128xf32>
    %add3A_379 = arith.addf %dot_general3A_378, %reshape3A : vector<32x128xf32>
    %convert_element_type3A_380 = arith.truncf %add3A_379 : vector<32x128xf32> to vector<32x128xbf16>
    %convert_element_type3A_381 = arith.extf %convert_element_type3A_380 : vector<32x128xbf16> to vector<32x128xf32>
    %bitcast_convert_type3A_382 = tpu.bitcast %convert_element_type3A_381 : vector<32x128xf32> -> vector<32x128xi32>
    %slice3A_383 = vector.extract_strided_slice %bitcast_convert_type3A_382 {offsets = [16, 0], sizes = [16, 128], strides = [1, 1]} : vector<32x128xi32> to vector<16x128xi32>
    %slice3A_384 = vector.extract_strided_slice %bitcast_convert_type3A_382 {offsets = [0, 0], sizes = [16, 128], strides = [1, 1]} : vector<32x128xi32> to vector<16x128xi32>
    %shift_right_logical3A_385 = arith.constant 16 : i32
    %shift_right_logical3A_386 = vector.broadcast %shift_right_logical3A_385 : i32 to vector<16x128xi32>
    %shift_right_logical3A_387 = arith.shrui %slice3A_384, %shift_right_logical3A_386 : vector<16x128xi32>
    %or3A_388 = arith.ori %slice3A_383, %shift_right_logical3A_387 : vector<16x128xi32>
    %bitcast_convert_type3A_389 = tpu.bitcast %or3A_388 : vector<16x128xi32> -> vector<16x128xf32>
    %swap3A_390 = arith.constant 0 : index
    %swap3A_391 = arith.constant 160 : index
    %swap3A_392 = arith.constant 0 : index
    %swap3A_393 = vector.load %arg8[%swap3A_390, %swap3A_391, %swap3A_392] : memref<1x256x128xf32, #tpu.memory_space<vmem>>, vector<1x16x128xf32>
    %swap3A_394 = vector.shape_cast %swap3A_393 : vector<1x16x128xf32> to vector<16x128xf32>
    %swap3A_395 = vector.shape_cast %bitcast_convert_type3A_389 : vector<16x128xf32> to vector<1x16x128xf32>
    tpu.vector_store %arg8[%swap3A_390, %swap3A_391, %swap3A_392], %swap3A_395 {strides = array<i32>} : memref<1x256x128xf32, #tpu.memory_space<vmem>>, vector<1x16x128xf32>,
    %get3A_396 = arith.constant 0 : index
    %get3A_397 = arith.constant 24 : index
    %get3A_398 = arith.constant 0 : index
    %get3A_399 = arith.constant 0 : index
    %get3A_400 = vector.load %arg2[%get3A_396, %get3A_397, %get3A_398, %get3A_399] : memref<1x64x16x128xf32, #tpu.memory_space<vmem>>, vector<1x8x16x128xf32>
    %get3A_401 = vector.shape_cast %get3A_400 : vector<1x8x16x128xf32> to vector<8x16x128xf32>
    %reshape3A_402 = vector.shape_cast %get3A_401 : vector<8x16x128xf32> to vector<128x128xf32>
    %dot_general3A_403 = arith.constant dense<0.000000e+00> : vector<32x128xf32>
    %dot_general3A_404 = tpu.matmul %select_n3A_110, %reshape3A_402, %dot_general3A_403 {dimension_numbers = #tpu.dot_dimension_numbers<[1], [0], [0], [1], [0, 0, 1, 1], [], []>, transpose_lhs_hint = false} : vector<32x128xf32>, vector<128x128xf32>, vector<32x128xf32> -> vector<32x128xf32>
    %add3A_405 = arith.addf %dot_general3A_404, %reshape3A : vector<32x128xf32>
    %convert_element_type3A_406 = arith.truncf %add3A_405 : vector<32x128xf32> to vector<32x128xbf16>
    %convert_element_type3A_407 = arith.extf %convert_element_type3A_406 : vector<32x128xbf16> to vector<32x128xf32>
    %bitcast_convert_type3A_408 = tpu.bitcast %convert_element_type3A_407 : vector<32x128xf32> -> vector<32x128xi32>
    %slice3A_409 = vector.extract_strided_slice %bitcast_convert_type3A_408 {offsets = [16, 0], sizes = [16, 128], strides = [1, 1]} : vector<32x128xi32> to vector<16x128xi32>
    %slice3A_410 = vector.extract_strided_slice %bitcast_convert_type3A_408 {offsets = [0, 0], sizes = [16, 128], strides = [1, 1]} : vector<32x128xi32> to vector<16x128xi32>
    %shift_right_logical3A_411 = arith.constant 16 : i32
    %shift_right_logical3A_412 = vector.broadcast %shift_right_logical3A_411 : i32 to vector<16x128xi32>
    %shift_right_logical3A_413 = arith.shrui %slice3A_410, %shift_right_logical3A_412 : vector<16x128xi32>
    %or3A_414 = arith.ori %slice3A_409, %shift_right_logical3A_413 : vector<16x128xi32>
    %bitcast_convert_type3A_415 = tpu.bitcast %or3A_414 : vector<16x128xi32> -> vector<16x128xf32>
    %swap3A_416 = arith.constant 0 : index
    %swap3A_417 = arith.constant 176 : index
    %swap3A_418 = arith.constant 0 : index
    %swap3A_419 = vector.load %arg8[%swap3A_416, %swap3A_417, %swap3A_418] : memref<1x256x128xf32, #tpu.memory_space<vmem>>, vector<1x16x128xf32>
    %swap3A_420 = vector.shape_cast %swap3A_419 : vector<1x16x128xf32> to vector<16x128xf32>
    %swap3A_421 = vector.shape_cast %bitcast_convert_type3A_415 : vector<16x128xf32> to vector<1x16x128xf32>
    tpu.vector_store %arg8[%swap3A_416, %swap3A_417, %swap3A_418], %swap3A_421 {strides = array<i32>} : memref<1x256x128xf32, #tpu.memory_space<vmem>>, vector<1x16x128xf32>,
    %get3A_422 = arith.constant 0 : index
    %get3A_423 = arith.constant 32 : index
    %get3A_424 = arith.constant 0 : index
    %get3A_425 = arith.constant 0 : index
    %get3A_426 = vector.load %arg2[%get3A_422, %get3A_423, %get3A_424, %get3A_425] : memref<1x64x16x128xf32, #tpu.memory_space<vmem>>, vector<1x8x16x128xf32>
    %get3A_427 = vector.shape_cast %get3A_426 : vector<1x8x16x128xf32> to vector<8x16x128xf32>
    %reshape3A_428 = vector.shape_cast %get3A_427 : vector<8x16x128xf32> to vector<128x128xf32>
    %dot_general3A_429 = arith.constant dense<0.000000e+00> : vector<32x128xf32>
    %dot_general3A_430 = tpu.matmul %select_n3A_110, %reshape3A_428, %dot_general3A_429 {dimension_numbers = #tpu.dot_dimension_numbers<[1], [0], [0], [1], [0, 0, 1, 1], [], []>, transpose_lhs_hint = false} : vector<32x128xf32>, vector<128x128xf32>, vector<32x128xf32> -> vector<32x128xf32>
    %add3A_431 = arith.addf %dot_general3A_430, %reshape3A : vector<32x128xf32>
    %convert_element_type3A_432 = arith.truncf %add3A_431 : vector<32x128xf32> to vector<32x128xbf16>
    %convert_element_type3A_433 = arith.extf %convert_element_type3A_432 : vector<32x128xbf16> to vector<32x128xf32>
    %bitcast_convert_type3A_434 = tpu.bitcast %convert_element_type3A_433 : vector<32x128xf32> -> vector<32x128xi32>
    %slice3A_435 = vector.extract_strided_slice %bitcast_convert_type3A_434 {offsets = [16, 0], sizes = [16, 128], strides = [1, 1]} : vector<32x128xi32> to vector<16x128xi32>
    %slice3A_436 = vector.extract_strided_slice %bitcast_convert_type3A_434 {offsets = [0, 0], sizes = [16, 128], strides = [1, 1]} : vector<32x128xi32> to vector<16x128xi32>
    %shift_right_logical3A_437 = arith.constant 16 : i32
    %shift_right_logical3A_438 = vector.broadcast %shift_right_logical3A_437 : i32 to vector<16x128xi32>
    %shift_right_logical3A_439 = arith.shrui %slice3A_436, %shift_right_logical3A_438 : vector<16x128xi32>
    %or3A_440 = arith.ori %slice3A_435, %shift_right_logical3A_439 : vector<16x128xi32>
    %bitcast_convert_type3A_441 = tpu.bitcast %or3A_440 : vector<16x128xi32> -> vector<16x128xf32>
    %swap3A_442 = arith.constant 0 : index
    %swap3A_443 = arith.constant 192 : index
    %swap3A_444 = arith.constant 0 : index
    %swap3A_445 = vector.load %arg8[%swap3A_442, %swap3A_443, %swap3A_444] : memref<1x256x128xf32, #tpu.memory_space<vmem>>, vector<1x16x128xf32>
    %swap3A_446 = vector.shape_cast %swap3A_445 : vector<1x16x128xf32> to vector<16x128xf32>
    %swap3A_447 = vector.shape_cast %bitcast_convert_type3A_441 : vector<16x128xf32> to vector<1x16x128xf32>
    tpu.vector_store %arg8[%swap3A_442, %swap3A_443, %swap3A_444], %swap3A_447 {strides = array<i32>} : memref<1x256x128xf32, #tpu.memory_space<vmem>>, vector<1x16x128xf32>,
    %get3A_448 = arith.constant 0 : index
    %get3A_449 = arith.constant 40 : index
    %get3A_450 = arith.constant 0 : index
    %get3A_451 = arith.constant 0 : index
    %get3A_452 = vector.load %arg2[%get3A_448, %get3A_449, %get3A_450, %get3A_451] : memref<1x64x16x128xf32, #tpu.memory_space<vmem>>, vector<1x8x16x128xf32>
    %get3A_453 = vector.shape_cast %get3A_452 : vector<1x8x16x128xf32> to vector<8x16x128xf32>
    %reshape3A_454 = vector.shape_cast %get3A_453 : vector<8x16x128xf32> to vector<128x128xf32>
    %dot_general3A_455 = arith.constant dense<0.000000e+00> : vector<32x128xf32>
    %dot_general3A_456 = tpu.matmul %select_n3A_110, %reshape3A_454, %dot_general3A_455 {dimension_numbers = #tpu.dot_dimension_numbers<[1], [0], [0], [1], [0, 0, 1, 1], [], []>, transpose_lhs_hint = false} : vector<32x128xf32>, vector<128x128xf32>, vector<32x128xf32> -> vector<32x128xf32>
    %add3A_457 = arith.addf %dot_general3A_456, %reshape3A : vector<32x128xf32>
    %convert_element_type3A_458 = arith.truncf %add3A_457 : vector<32x128xf32> to vector<32x128xbf16>
    %convert_element_type3A_459 = arith.extf %convert_element_type3A_458 : vector<32x128xbf16> to vector<32x128xf32>
    %bitcast_convert_type3A_460 = tpu.bitcast %convert_element_type3A_459 : vector<32x128xf32> -> vector<32x128xi32>
    %slice3A_461 = vector.extract_strided_slice %bitcast_convert_type3A_460 {offsets = [16, 0], sizes = [16, 128], strides = [1, 1]} : vector<32x128xi32> to vector<16x128xi32>
    %slice3A_462 = vector.extract_strided_slice %bitcast_convert_type3A_460 {offsets = [0, 0], sizes = [16, 128], strides = [1, 1]} : vector<32x128xi32> to vector<16x128xi32>
    %shift_right_logical3A_463 = arith.constant 16 : i32
    %shift_right_logical3A_464 = vector.broadcast %shift_right_logical3A_463 : i32 to vector<16x128xi32>
    %shift_right_logical3A_465 = arith.shrui %slice3A_462, %shift_right_logical3A_464 : vector<16x128xi32>
    %or3A_466 = arith.ori %slice3A_461, %shift_right_logical3A_465 : vector<16x128xi32>
    %bitcast_convert_type3A_467 = tpu.bitcast %or3A_466 : vector<16x128xi32> -> vector<16x128xf32>
    %swap3A_468 = arith.constant 0 : index
    %swap3A_469 = arith.constant 208 : index
    %swap3A_470 = arith.constant 0 : index
    %swap3A_471 = vector.load %arg8[%swap3A_468, %swap3A_469, %swap3A_470] : memref<1x256x128xf32, #tpu.memory_space<vmem>>, vector<1x16x128xf32>
    %swap3A_472 = vector.shape_cast %swap3A_471 : vector<1x16x128xf32> to vector<16x128xf32>
    %swap3A_473 = vector.shape_cast %bitcast_convert_type3A_467 : vector<16x128xf32> to vector<1x16x128xf32>
    tpu.vector_store %arg8[%swap3A_468, %swap3A_469, %swap3A_470], %swap3A_473 {strides = array<i32>} : memref<1x256x128xf32, #tpu.memory_space<vmem>>, vector<1x16x128xf32>,
    %get3A_474 = arith.constant 0 : index
    %get3A_475 = arith.constant 48 : index
    %get3A_476 = arith.constant 0 : index
    %get3A_477 = arith.constant 0 : index
    %get3A_478 = vector.load %arg2[%get3A_474, %get3A_475, %get3A_476, %get3A_477] : memref<1x64x16x128xf32, #tpu.memory_space<vmem>>, vector<1x8x16x128xf32>
    %get3A_479 = vector.shape_cast %get3A_478 : vector<1x8x16x128xf32> to vector<8x16x128xf32>
    %reshape3A_480 = vector.shape_cast %get3A_479 : vector<8x16x128xf32> to vector<128x128xf32>
    %dot_general3A_481 = arith.constant dense<0.000000e+00> : vector<32x128xf32>
    %dot_general3A_482 = tpu.matmul %select_n3A_110, %reshape3A_480, %dot_general3A_481 {dimension_numbers = #tpu.dot_dimension_numbers<[1], [0], [0], [1], [0, 0, 1, 1], [], []>, transpose_lhs_hint = false} : vector<32x128xf32>, vector<128x128xf32>, vector<32x128xf32> -> vector<32x128xf32>
    %add3A_483 = arith.addf %dot_general3A_482, %reshape3A : vector<32x128xf32>
    %convert_element_type3A_484 = arith.truncf %add3A_483 : vector<32x128xf32> to vector<32x128xbf16>
    %convert_element_type3A_485 = arith.extf %convert_element_type3A_484 : vector<32x128xbf16> to vector<32x128xf32>
    %bitcast_convert_type3A_486 = tpu.bitcast %convert_element_type3A_485 : vector<32x128xf32> -> vector<32x128xi32>
    %slice3A_487 = vector.extract_strided_slice %bitcast_convert_type3A_486 {offsets = [16, 0], sizes = [16, 128], strides = [1, 1]} : vector<32x128xi32> to vector<16x128xi32>
    %slice3A_488 = vector.extract_strided_slice %bitcast_convert_type3A_486 {offsets = [0, 0], sizes = [16, 128], strides = [1, 1]} : vector<32x128xi32> to vector<16x128xi32>
    %shift_right_logical3A_489 = arith.constant 16 : i32
    %shift_right_logical3A_490 = vector.broadcast %shift_right_logical3A_489 : i32 to vector<16x128xi32>
    %shift_right_logical3A_491 = arith.shrui %slice3A_488, %shift_right_logical3A_490 : vector<16x128xi32>
    %or3A_492 = arith.ori %slice3A_487, %shift_right_logical3A_491 : vector<16x128xi32>
    %bitcast_convert_type3A_493 = tpu.bitcast %or3A_492 : vector<16x128xi32> -> vector<16x128xf32>
    %swap3A_494 = arith.constant 0 : index
    %swap3A_495 = arith.constant 224 : index
    %swap3A_496 = arith.constant 0 : index
    %swap3A_497 = vector.load %arg8[%swap3A_494, %swap3A_495, %swap3A_496] : memref<1x256x128xf32, #tpu.memory_space<vmem>>, vector<1x16x128xf32>
    %swap3A_498 = vector.shape_cast %swap3A_497 : vector<1x16x128xf32> to vector<16x128xf32>
    %swap3A_499 = vector.shape_cast %bitcast_convert_type3A_493 : vector<16x128xf32> to vector<1x16x128xf32>
    tpu.vector_store %arg8[%swap3A_494, %swap3A_495, %swap3A_496], %swap3A_499 {strides = array<i32>} : memref<1x256x128xf32, #tpu.memory_space<vmem>>, vector<1x16x128xf32>,
    %get3A_500 = arith.constant 0 : index
    %get3A_501 = arith.constant 56 : index
    %get3A_502 = arith.constant 0 : index
    %get3A_503 = arith.constant 0 : index
    %get3A_504 = vector.load %arg2[%get3A_500, %get3A_501, %get3A_502, %get3A_503] : memref<1x64x16x128xf32, #tpu.memory_space<vmem>>, vector<1x8x16x128xf32>
    %get3A_505 = vector.shape_cast %get3A_504 : vector<1x8x16x128xf32> to vector<8x16x128xf32>
    %reshape3A_506 = vector.shape_cast %get3A_505 : vector<8x16x128xf32> to vector<128x128xf32>
    %dot_general3A_507 = arith.constant dense<0.000000e+00> : vector<32x128xf32>
    %dot_general3A_508 = tpu.matmul %select_n3A_110, %reshape3A_506, %dot_general3A_507 {dimension_numbers = #tpu.dot_dimension_numbers<[1], [0], [0], [1], [0, 0, 1, 1], [], []>, transpose_lhs_hint = false} : vector<32x128xf32>, vector<128x128xf32>, vector<32x128xf32> -> vector<32x128xf32>
    %add3A_509 = arith.addf %dot_general3A_508, %reshape3A : vector<32x128xf32>
    %convert_element_type3A_510 = arith.truncf %add3A_509 : vector<32x128xf32> to vector<32x128xbf16>
    %convert_element_type3A_511 = arith.extf %convert_element_type3A_510 : vector<32x128xbf16> to vector<32x128xf32>
    %bitcast_convert_type3A_512 = tpu.bitcast %convert_element_type3A_511 : vector<32x128xf32> -> vector<32x128xi32>
    %slice3A_513 = vector.extract_strided_slice %bitcast_convert_type3A_512 {offsets = [16, 0], sizes = [16, 128], strides = [1, 1]} : vector<32x128xi32> to vector<16x128xi32>
    %slice3A_514 = vector.extract_strided_slice %bitcast_convert_type3A_512 {offsets = [0, 0], sizes = [16, 128], strides = [1, 1]} : vector<32x128xi32> to vector<16x128xi32>
    %shift_right_logical3A_515 = arith.constant 16 : i32
    %shift_right_logical3A_516 = vector.broadcast %shift_right_logical3A_515 : i32 to vector<16x128xi32>
    %shift_right_logical3A_517 = arith.shrui %slice3A_514, %shift_right_logical3A_516 : vector<16x128xi32>
    %or3A_518 = arith.ori %slice3A_513, %shift_right_logical3A_517 : vector<16x128xi32>
    %bitcast_convert_type3A_519 = tpu.bitcast %or3A_518 : vector<16x128xi32> -> vector<16x128xf32>
    %swap3A_520 = arith.constant 0 : index
    %swap3A_521 = arith.constant 240 : index
    %swap3A_522 = arith.constant 0 : index
    %swap3A_523 = vector.load %arg8[%swap3A_520, %swap3A_521, %swap3A_522] : memref<1x256x128xf32, #tpu.memory_space<vmem>>, vector<1x16x128xf32>
    %swap3A_524 = vector.shape_cast %swap3A_523 : vector<1x16x128xf32> to vector<16x128xf32>
    %swap3A_525 = vector.shape_cast %bitcast_convert_type3A_519 : vector<16x128xf32> to vector<1x16x128xf32>
    tpu.vector_store %arg8[%swap3A_520, %swap3A_521, %swap3A_522], %swap3A_525 {strides = array<i32>} : memref<1x256x128xf32, #tpu.memory_space<vmem>>, vector<1x16x128xf32>,
    return
  }
  func.func @transform_0(%arg0: i32) -> (i32, i32, i32, i32) {
    %c0_i32 = arith.constant 0 : i32
    %c0_i32_0 = arith.constant 0 : i32
    %c0_i32_1 = arith.constant 0 : i32
    %c0_i32_2 = arith.constant 0 : i32
    return %arg0, %c0_i32, %c0_i32_0, %c0_i32_1 : i32, i32, i32, i32
  }
  func.func @transform_1(%arg0: i32) -> (i32, i32, i32, i32) {
    %c1_i32 = arith.constant 1 : i32
    %c0_i32 = arith.constant 0 : i32
    %c0_i32_0 = arith.constant 0 : i32
    %c0_i32_1 = arith.constant 0 : i32
    return %arg0, %c1_i32, %c0_i32, %c0_i32_0 : i32, i32, i32, i32
  }
  func.func @transform_2(%arg0: i32) -> (i32, i32, i32) {
    %c0_i32 = arith.constant 0 : i32
    %c0_i32_0 = arith.constant 0 : i32
    %c0_i32_1 = arith.constant 0 : i32
    return %arg0, %c0_i32, %c0_i32_0 : i32, i32, i32
  }
  func.func @transform_3(%arg0: i32) -> (i32, i32) {
    %c0_i32 = arith.constant 0 : i32
    %c0_i32_0 = arith.constant 0 : i32
    %c0_i32_1 = arith.constant 0 : i32
    return %c0_i32, %c0_i32_0 : i32, i32
  }
  func.func @transform_4(%arg0: i32) -> (i32, i32) {
    %c0_i32 = arith.constant 0 : i32
    %c0_i32_0 = arith.constant 0 : i32
    %c0_i32_1 = arith.constant 0 : i32
    return %c0_i32, %c0_i32_0 : i32, i32
  }
  func.func @transform_5(%arg0: i32) -> (i32, i32) {
    %c0_i32 = arith.constant 0 : i32
    %c0_i32_0 = arith.constant 0 : i32
    %c0_i32_1 = arith.constant 0 : i32
    return %c0_i32, %c0_i32_0 : i32, i32
  }
  func.func @transform_6(%arg0: i32) -> (i32, i32) {
    %c0_i32 = arith.constant 0 : i32
    %c0_i32_0 = arith.constant 0 : i32
    %c0_i32_1 = arith.constant 0 : i32
    return %c0_i32, %c0_i32_0 : i32, i32
  }
  func.func @transform_7(%arg0: i32) -> (i32, i32, i32) {
    %c0_i32 = arith.constant 0 : i32
    %c0_i32_0 = arith.constant 0 : i32
    %c0_i32_1 = arith.constant 0 : i32
    return %arg0, %c0_i32, %c0_i32_0 : i32, i32, i32
  }
  func.func @transform_8(%arg0: i32) -> (i32, i32, i32) {
    %c0_i32 = arith.constant 0 : i32
    %c0_i32_0 = arith.constant 0 : i32
    %c0_i32_1 = arith.constant 0 : i32
    return %arg0, %c0_i32, %c0_i32_0 : i32, i32, i32
  }
  func.func @transform_9(%arg0: i32) -> (i32, i32, i32) {
    %c0_i32 = arith.constant 0 : i32
    %c0_i32_0 = arith.constant 0 : i32
    %c0_i32_1 = arith.constant 0 : i32
    return %arg0, %c0_i32, %c0_i32_0 : i32, i32, i32
  }
}

</mosaic_0001>

<sc_bundles>
// kernel: kernel.4.cloned.1.call-start
scs
__scs_entry_jumppad:
0x0: {  	(pc) =	sbr.rel $0x88, $3  }
0x1: {  	(tag) =	ssettag $0x0;
	lr =	simm.s32 $0x1  }
0x2: {  	[smem:$0x3F97] =	sst lr;
	_ =	strace $0xD0000000  }
0x3: {  	_ = 	snop  }
0x4: {  	_ = 	snop  }
0x5: {  	_ = 	snop  }
0x6: {  	_ = 	snop  }
0x7: {  	_ = 	snop  }
__scs_overlays_trampoline_lowered:
0x8: {  	[smem:$0x3FA6] =	sst s0  }
0x9: {  	[smem:$0x3FA7] =	sst s1  }
0xa: {  	[smem:$0x3FA8] =	sst s2  }
0xb: {  	[smem:$0x3FA9] =	sst s3  }
0xc: {  	[smem:$0x3FAA] =	sst s4  }
0xd: {  	[smem:$0x3FAB] =	sst s5  }
0xe: {  	[smem:$0x3FAC] =	sst s6  }
0xf: {  	[smem:$0x3FAD] =	sst s7  }
0x10: {  	[smem:$0x3FAE] =	sst s8  }
0x11: {  	[smem:$0x3FAF] =	sst s9;
	s0 =	simm.s32 @!p0 $0x0  }
0x12: {  	s1 =	sld [smem:$0x3F95];
	s0 =	simm.s32 @p0 $0x1  }
0x13: {  	[smem:$0x3FB0] =	sst s0;
	s0 =	simm.s32 @!p1 $0x0  }
0x14: {  	s2 =	sld [smem:$0x3F94];
	s0 =	simm.s32 @p1 $0x1  }
0x15: {  	[smem:$0x3FB1] =	sst s0;
	s0 =	simm.s32 @!p2 $0x0  }
0x16: {  	s3 =	sld [smem:$0x3FDB];
	s0 =	simm.s32 @p2 $0x1  }
0x17: {  	s4 =	simm.s32 $0x1BF5;
	[smem:$0x3FB3] =	sst s0  }
0x18: {  	s0 =	sld [smem:$0x3F96];
	_ =	swait.ge [sflag:s4], $0x0  }
0x19: {  	s7 =	sld [smem:$0x3F97]  }
0x1a: {  	s8 =	sadd.s32 $0xFFFFE003, lr  }
0x1b: {  	s9 =	sadd.s32 $0xFFFFFEF7, lr;
	s5 =	simm.s32 $0xFFFFFFFF;
	p2 =	slt.u32 s8, $0xFFFFF086  }
0x1c: {  	p1 =	slt.u32 s9, $0xF7A;
	s5 =	simm.s32 @!p2 $0x0  }
0x1d: {  	s5 =	simm.s32 @p1 $0x1;
	p0 =	seq.s32 s7, s2  }
0x1e: {  	s7 =	smul.u32 @!p0 $0xF7A, s2;
	p2 =	seq.s32 @!p0 s5, $0x0  }
0x1f: {  	s9 =	smul.u32 $0xF7A, s1;
	s8 =	simm.s32 @!p0 $0x1BF5;
	p2 =	por !p2, p0  }
0x20: {  	[sflag:s8] =	ssyncset.s32 @!p0 $0xFFFFF086;
	s6 =	sadd.s32 @!p0 s3, s7;
	s7 =	simm.s32 @!p0 $0x108  }
0x21: {  	s3 =	sadd.s32 s3, s9;
	s6 =	sadd.s32 @!p0 $0x88, s6;
	s7 =	simm.s32 @p2 $0x1082  }
0x22: {  	[simem:s7], [sflag:s8] =	dma.local @!p0 [hbm:s6], $0xF7A  }
0x23: {  	s9 =	sor.u32 $0xD0000000, s2;
	s6 =	simm.s32 $0x108;
	_ =	swait.ge @!p0 [sflag:s8], $0x0  }
0x24: {  	s3 =	sadd.s32 $0x88, s3;
	s6 =	simm.s32 @!p1 $0x1082;
	[sflag:s4] =	ssyncset.s32 $0xFFFFF086  }
0x25: {  	[simem:s6], [sflag:s4] =	dma.local [hbm:s3], $0xF7A  }
0x26: {  	[smem:$0x3F97] =	sst s1;
	(tag) =	ssettag s2;
	_ =	strace s9  }
0x27: {  	s1 =	sld [smem:$0x3FA7]  }
0x28: {  	s2 =	sld [smem:$0x3FA8]  }
0x29: {  	s4 =	sld [smem:$0x3FAA]  }
0x2a: {  	p0 =	seq.s32 s5, $0x0;
	s5 =	sld [smem:$0x3FAB]  }
0x2b: {  	s6 =	sld [smem:$0x3FAC]  }
0x2c: {  	s7 =	sld [smem:$0x3FAD]  }
0x2d: {  	s3 =	simm.s32 $0x108;
	s8 =	sld [smem:$0x3FAE]  }
0x2e: {  	s3 =	simm.s32 @!p0 $0x1082;
	s9 =	sld [smem:$0x3FAF]  }
0x2f: {  	lr =	sadd.s32 s0, s3;
	s0 =	sld [smem:$0x3FA6]  }
0x30: {  	s3 =	sld [smem:$0x3FA9]  }
0x31: {  	[smem:$0x3FB2] =	sst s10  }
0x32: {  	s10 =	sld [smem:$0x3FB0];
	_ =	sdelay $0x3  }
0x33: {  	p0 =	seq.s32 s10, $0x1;
	s10 =	sld [smem:$0x3FB2];
	_ =	sdelay $0x3  }
0x34: {  	[smem:$0x3FB2] =	sst s10  }
0x35: {  	s10 =	sld [smem:$0x3FB1];
	_ =	sdelay $0x3  }
0x36: {  	p1 =	seq.s32 s10, $0x1;
	s10 =	sld [smem:$0x3FB2];
	_ =	sdelay $0x3  }
0x37: {  	[smem:$0x3FB2] =	sst s10  }
0x38: {  	s10 =	sld [smem:$0x3FB3]  }
0x39: {  	_ = 	snop;
	(pc) =	sbr.ind lr, $3  }
0x3a: {  	_ = 	snop  }
0x3b: {  	_ = 	snop  }
0x3c: {  	p2 =	seq.s32 s10, $0x1;
	s10 =	sld [smem:$0x3FB2]  }
0x3d: {  	_ =	shalt  }
0x3e: {  	_ =	shalt  }
0x3f: {  	_ =	shalt  }
0x40: {  	_ =	shalt  }
0x41: {  	_ =	shalt  }
0x42: {  	_ =	shalt  }
0x43: {  	_ =	shalt  }
0x44: {  	_ =	shalt  }
0x45: {  	_ =	shalt  }
0x46: {  	_ =	shalt  }
0x47: {  	_ =	shalt  }
0x48: {  	_ =	shalt  }
0x49: {  	_ =	shalt  }
0x4a: {  	_ =	shalt  }
0x4b: {  	_ =	shalt  }
0x4c: {  	_ =	shalt  }
0x4d: {  	_ =	shalt  }
0x4e: {  	_ =	shalt  }
0x4f: {  	_ =	shalt  }
0x50: {  	_ =	shalt  }
0x51: {  	_ =	shalt  }
0x52: {  	_ =	shalt  }
0x53: {  	_ =	shalt  }
0x54: {  	_ =	shalt  }
0x55: {  	_ =	shalt  }
0x56: {  	_ =	shalt  }
0x57: {  	_ =	shalt  }
0x58: {  	_ =	shalt  }
0x59: {  	_ =	shalt  }
0x5a: {  	_ =	shalt  }
0x5b: {  	_ =	shalt  }
0x5c: {  	_ =	shalt  }
0x5d: {  	_ =	shalt  }
0x5e: {  	_ =	shalt  }
0x5f: {  	_ =	shalt  }
0x60: {  	_ =	shalt  }
0x61: {  	_ =	shalt  }
0x62: {  	_ =	shalt  }
0x63: {  	_ =	shalt  }
0x64: {  	_ =	shalt  }
0x65: {  	_ =	shalt  }
0x66: {  	_ =	shalt  }
0x67: {  	_ =	shalt  }
0x68: {  	_ =	shalt  }
0x69: {  	_ =	shalt  }
0x6a: {  	_ =	shalt  }
0x6b: {  	_ =	shalt  }
0x6c: {  	_ =	shalt  }
0x6d: {  	_ =	shalt  }
0x6e: {  	_ =	shalt  }
0x6f: {  	_ =	shalt  }
0x70: {  	_ =	shalt  }
0x71: {  	_ =	shalt  }
0x72: {  	_ =	shalt  }
0x73: {  	_ =	shalt  }
0x74: {  	_ =	shalt  }
0x75: {  	_ =	shalt  }
0x76: {  	_ =	shalt  }
0x77: {  	_ =	shalt  }
0x78: {  	_ =	shalt  }
0x79: {  	_ =	shalt  }
0x7a: {  	_ =	shalt  }
0x7b: {  	_ =	shalt  }
0x7c: {  	_ =	shalt  }
0x7d: {  	_ =	shalt  }
0x7e: {  	_ =	shalt  }
0x7f: {  	_ =	shalt  }
0x80: {  	_ =	shalt  }
0x81: {  	_ =	shalt  }
0x82: {  	_ =	shalt  }
0x83: {  	_ =	shalt  }
0x84: {  	_ =	shalt  }
0x85: {  	_ =	shalt  }
0x86: {  	_ =	shalt  }
0x87: {  	_ =	shalt  }
.Lfunc_end0:
.L_simem_size_0:
called_computation_lowered:
.L_overlay_start_0:
0x88: {  	s2 =	sld [smem:$0x3FD9]  }
0x89: {  	s3 =	sld [smem:$0x3FFE];
	_ =	sdelay $0x1  }
0x8a: {  	s1 =	srdreg.scid  }
0x8b: {  	s0 =	sand.u32 $0x1, s1  }
0x8c: {  	s17 =	sshll.u32 s0, $0xA;
	s2 =	sadd.s32 s3, s2  }
0x8d: {  	s2 =	sadd.s32 s2, s17  }
0x8e: {  	[smem:$0x3FBE] =	sst s2  }
0x8f: {  	_ = 	snop  }
0x90: {  	s2 =	sld [smem:$0x3FC2]  }
0x91: {  	s18 =	sld [smem:$0x3FD0];
	(tm) =	ssettm $0x1  }
0x92: {  	s4 =	sld [smem:$0x3FFB];
	_ =	sdelay $0x3  }
0x93: {  	_ =	strace s4  }
0x94: {  	s4 =	sld [smem:$0x3FFC];
	_ =	sdelay $0x3  }
0x95: {  	_ =	strace s4  }
0x96: {  	s4 =	sld [smem:$0x3FFD];
	_ =	sdelay $0x3  }
0x97: {  	_ =	strace s4  }
0x98: {  	_ =	strace $0x8FFFFFFF  }
0x99: {  	s19 =	sld [smem:$0x3FDB];
	_ =	sdelay $0x1  }
0x9a: {  	s5 =	simm.s32 $_scs_section_size  }
0x9b: {  	s6 =	simm.s32 $_size__tile_overlayer_lowered;
	s7 =	simm.s32 $_tile_overlayer_lowered  }
0x9c: {  	s22 =	simm.s32 $0x1BFF;
	s21 =	sshll.u32 s7, $0x1;
	s4 =	sadd.s32 s5, s19  }
0x9d: {  	s8 =	simm.s32 $0x0;
	s20 =	sshll.u32 s6, $0x1;
	s6 =	sadd.s32 s21, s4  }
0x9e: {  	[timem:s8], [sflag:s22] =	dma.local [hbm:s6], s20  }
0x9f: {  	_ =	swait.ge [sflag:s22], s20  }
0xa0: {  	s5 =	ssub.s32 $0x0, s20;
	[sflag:s22] =	ssyncset.done $0x0  }
0xa1: {  	[sflag:s22] =	ssyncadd.s32 s5;
	_ =	sdelay $0x1  }
0xa2: {  	s23 =	simm.s32 $0x1B8B  }
0xa3: {  	_ =	swait.ge [sflag:s23], $0x1  }
0xa4: {  	[sflag:s23] =	ssyncset.done $0x0  }
0xa5: {  	s25 =	simm.s32 $0x1B8E;
	s24 =	sld [smem:$0x3FFE];
	[sflag:s23] =	ssyncadd.s32 $0xFFFFFFFF  }
0xa6: {  	s26 =	simm.s32 $execute0_lowered;
	[smem:$0x3FD2] =	sst s25  }
0xa7: {  	s6 =	sshll.u32 s26, $0x1;
	_ =	strace $0x80000046;
	[dreg:$0x1] =	wrdreg $0xFFFFFFFF  }
0xa8: {  	s28 =	simm.s32 $_size_execute0_lowered;
	s4 =	sadd.s32 s4, s6;
	[dreg:$0x0] =	wrdreg $0x0  }
0xa9: {  	s6 =	sshll.u32 s28, $0x1;
	[dreg:$0x2] =	wrdreg s4  }
0xaa: {  	[dreg:$0x3] =	wrdreg s6  }
0xab: {  	[dreg:$0x4] =	wrdreg $0xC0  }
0xac: {  	_ =	task [dreg:s8], $0x5FFFF  }
0xad: {  	[dreg:$0x1] =	wrdreg $0xFFFFFFFF  }
0xae: {  	[dreg:$0x0] =	wrdreg $0x60  }
0xaf: {  	[dreg:$0x2] =	wrdreg s24  }
0xb0: {  	[dreg:$0x3] =	wrdreg s2  }
0xb1: {  	[dreg:$0x4] =	wrdreg s18  }
0xb2: {  	[dreg:$0x5] =	wrdreg $0x9  }
0xb3: {  	_ =	task.clear_ibuf [dreg:s8], $0x6FFFF;
	_ =	strace $0x90000046  }
0xb4: {  	s29 =	simm.s32 $0x9;
	_ =	strace $0x80000048  }
0xb5: {  	_ =	swait.ge [sflag:s29], $0x1  }
0xb6: {  	[sflag:s29] =	ssyncadd.s32 $0xFFFFFFFF  }
0xb7: {  	_ =	strace $0x90000048  }
0xb8: {  	_ =	sfence  }
0xb9: {  	s30 =	sld [smem:$0x0];
	_ =	sdelay $0x2  }
0xba: {  	s31 =	sshll.u32 s1, $0xD;
	s1 =	sshrl.u32 s1, $0x2  }
0xbb: {  	s3 =	sand.u32 $0x4000, s31;
	s1 =	sadd.s32 s1, s30  }
0xbc: {  	s0 =	sor.u32 s3, s0;
	s1 =	sshll.u32 s1, $0x11  }
0xbd: {  	s0 =	sor.u32 s1, s0  }
0xbe: {  	s0 =	sadd.s32 $0x8F2B, s0  }
0xbf: {  	[sflag:s0] =	ssyncadd.remote.s32 $0x1  }
0xc0: {  	_ =	sfence.sel $0xFFFF  }
0xc1: {  	[dreg:$0x0] =	wrdreg $0xFFFFFFFF;
	(pc) =	sbr.abs _section_cstart, $3  }
0xc2: {  	[dreg:$0x1] =	wrdreg $0xFFFFFFFF  }
0xc3: {  	_ =	task.clear_ibuf [dreg:s8], $0x2FFFF;
	_ =	strace $0x9FFFFFFF  }
0xc4: {  	(tm) =	ssettm $0x7FFFFFFF  }
0xc5: {  	_ =	shalt  }
tec
execute0_lowered:
.L_overlay_start_1:
0x0: {  	(tag) =	ssettag $0x1  }
0x1: {  	s5 =	rddreg [dreg:$0x0]  }
0x2: {  	s2 =	rddreg [dreg:$0x1]  }
0x3: {  	s8 =	rddreg [dreg:$0x2]  }
0x4: {  	s0 =	rddreg [dreg:$0x3]  }
0x5: {  	s4 =	srdreg.scid;
	s1 =	stileid.u32;
	s3 =	simm.s32 $0x0  }
0x6: {  	s12 =	simm.s32 $0x3000;
	s13 =	simm.s32 $0xB000;
	s14 =	simm.s32 $0x1  }
0x7: {  	s15 =	simm.s32 $0xB400;
	s16 =	simm.s32 $0x2;
	s17 =	simm.s32 $0x0  }
0x8: {  	s4 =	sand.u32 $0x1, s4;
	s6 =	sshll.u32 s1, $0x1;
	[smem:$0x7FF] =	sst s3  }
0x9: {  	s6 =	sor.u32 s4, s6;
	_ =	strace $0x80000047;
	s10 =	ssub.s32 $0x2, s4  }
0xa: {  	s4 =	sadd.s32 $0x1200, s5;
	s7 =	sshll.u32 s6, $0xC;
	s9 =	sshll.u32 s6, $0x7  }
0xb: {  	s11 =	sshrl.u32 s10, $0x1;
	s31 =	sshll.u32 s6, $0x9;
	s7 =	sadd.s32 s7, s5  }
0xc: {  	s9 =	sadd.s32 s9, s5;
	s5 =	sadd.s32 $0x1000, s5;
	s10 =	ssub.s32 s10, s11  }
0xd: {  	s8 =	sadd.s32 s8, s31;
	s11 =	simm.s32 $0x2000;
	s6 =	sadd.s32 $0x1400, s7  }
0xe: {  	s7 =	sadd.s32 $0x21400, s9;
	s9 =	smax.u32 s10, $0x1;
	s10 =	simm.s32 $0x1000  }
.LBB2_1:
0xf: {  	[tilespmem:s3], [sflag:$0x1] =	stream.linear.gather [hbm4b:s4+s3], $0x1000, $0x38;
	[tilespmem:$0xC400] =	vst v63  }
0x10: {  	_ = 	snop  }
0x11: {  	[tilespmem:s10], [sflag:$0x1] =	stream.linear.gather [hbm4b:s5+s3], $0x1000, $0x38;
	[tilespmem:$0xC400] =	vst v63  }
0x12: {  	_ = 	snop  }
0x13: {  	[tilespmem:s11], [sflag:$0x1] =	stream.linear.gather [hbm4b:s2+s3], $0x1000, $0x38;
	[tilespmem:$0xC400] =	vst v63  }
0x14: {  	_ = 	snop  }
0x15: {  	[tilespmem:s12], [sflag:$0x1] =	stream.linear.gather [hbm4b:s6+s3], $0x8000, $0x38;
	[tilespmem:$0xC400] =	vst v63  }
0x16: {  	_ = 	snop  }
0x17: {  	[tilespmem:s13], [sflag:$0x1] =	stream.linear.gather [hbm4b:s7+s3], $0x400, $0x38;
	[tilespmem:$0xC400] =	vst v63  }
0x18: {  	_ =	swait.ge [sflag:s14], $0x1000  }
0x19: {  	[sflag:s14] =	ssyncset.done $0x0  }
0x1a: {  	[sflag:s14] =	ssyncadd.s32 $0xFFFFF000  }
0x1b: {  	_ =	swait.ge [sflag:s14], $0x1000  }
0x1c: {  	[sflag:s14] =	ssyncset.done $0x0  }
0x1d: {  	[sflag:s14] =	ssyncadd.s32 $0xFFFFF000  }
0x1e: {  	_ =	swait.ge [sflag:s14], $0x1000  }
0x1f: {  	[sflag:s14] =	ssyncset.done $0x0  }
0x20: {  	[sflag:s14] =	ssyncadd.s32 $0xFFFFF000  }
0x21: {  	_ =	swait.ge [sflag:s14], $0x8000  }
0x22: {  	[sflag:s14] =	ssyncset.done $0x0  }
0x23: {  	[sflag:s14] =	ssyncadd.s32 $0xFFFF8000  }
0x24: {  	_ =	swait.ge [sflag:s14], $0x400  }
0x25: {  	[sflag:s14] =	ssyncset.done $0x0  }
0x26: {  	s18 =	simm.s32 $0x0;
	[sflag:s14] =	ssyncadd.s32 $0xFFFFFC00  }
0x27: {  	v0 =	vld [tilespmem:s18+$0x30]  }
0x28: {  	v1 =	vld [tilespmem:s18+$0x0]  }
0x29: {  	v3 =	vld [tilespmem:s18+$0x10]  }
0x2a: {  	s24 =	simm.s32 $0x40;
	v4 =	vld [tilespmem:s18+$0x20]  }
0x2b: {  	v49 =	vld [tilespmem:s24+$0x1000]  }
0x2c: {  	v51 =	vld [tilespmem:s24+$0x1010]  }
0x2d: {  	v52 =	vld [tilespmem:s24+$0x1020]  }
0x2e: {  	v2 =	vld [tilespmem:s18+$0x2030]  }
0x2f: {  	v7 =	vld [tilespmem:s18+$0x2000];
	v6 =	vshll.u32 v0, $0x2;
	v8 =	vshll.u32 v1, $0x2  }
0x30: {  	v12 =	vld [tilespmem:s18+$0x2010];
	v9 =	vshll.u32 v1, $0x1;
	v10 =	vshll.u32 v0, $0x1;
	v11 =	vshll.u32 v3, $0x2  }
0x31: {  	v15 =	vshll.u32 v4, $0x2;
	v18 =	vshll.u32 v4, $0x1;
	v56 =	vand.u32 $0xFFFFFFF8, v49  }
0x32: {  	v5 =	vld [tilespmem:s18+$0x1030];
	v57 =	vand.u32 $0xFFFFFFF8, v51;
	v58 =	vand.u32 $0xFFFFFFF8, v52;
	v6 =	vand.u32 $0x1C, v6  }
0x33: {  	v14 =	vld [tilespmem:s18+$0x2020];
	v8 =	vand.u32 $0x1C, v8;
	v10 =	vand.u32 $0x1FFFFF0, v10;
	v11 =	vand.u32 $0x1C, v11  }
0x34: {  	v9 =	vand.u32 $0x1FFFFF0, v9;
	v6 =	vadd.s32 v2, v6;
	v8 =	vadd.s32 v7, v8  }
0x35: {  	v2 =	vshll.u32 v2, $0x7;
	v16 =	vadd.s32 v12, v11;
	v11 =	vshll.u32 v3, $0x1  }
0x36: {  	v13 =	vand.u32 $0xF, v6;
	v17 =	vand.u32 $0xF, v16;
	v11 =	vand.u32 $0x1FFFFF0, v11  }
0x37: {  	vm0 =	vgt.s32 v6, $0xF;
	v10 =	vor.u32 v10, v13;
	v13 =	vand.u32 $0x1C, v15  }
0x38: {  	v15 =	vand.u32 $0xFFFFFFF8, v5;
	v10 =	vshll.u32 v10, $0x7;
	v13 =	vadd.s32 v14, v13  }
0x39: {  	v5 =	vand.u32 $0x7, v5;
	v10 =	vadd.s32 v15, v10;
	v15 =	vld [tilespmem:s18+$0x1000];
	v20 =	vand.u32 $0xF, v13  }
0x3a: {  	vm1 =	vgt.s32 v13, $0xF;
	v13 =	vld [tilespmem:s24+$0x10];
	v5 =	vor.u32 v5, v10;
	v10 =	vand.u32 $0xFFFFFFF8, v0  }
0x3b: {  	v19 =	vld [tilespmem:s18+$0x1020];
	vm2 =	vgt.s32 v8, $0xF;
	v0 =	vand.u32 $0x7, v0;
	v2 =	vadd.s32 v10, v2  }
0x3c: {  	vm1 =	vmmov vm1;
	v10 =	vld [tilespmem:s18+$0x1010];
	v0 =	vor.u32 v0, v2;
	v2 =	vand.u32 $0xF, v8  }
0x3d: {  	v2 =	vor.u32 v9, v2;
	v9 =	vor.u32 v11, v17;
	v11 =	vand.u32 $0x1FFFFF0, v18  }
0x3e: {  	v2 =	vshll.u32 v2, $0x7;
	v9 =	vshll.u32 v9, $0x7;
	v11 =	vor.u32 v11, v20  }
0x3f: {  	v17 =	vand.u32 $0xFFFFFFF8, v15;
	v15 =	vand.u32 $0x7, v15;
	v21 =	vshll.u32 v13, $0x2;
	v5 =	vld.idx.msk [tilespmem:v5+s12+$0x0], $0xffff  }
0x40: {  	v26 =	vshll.u32 v13, $0x1;
	v62 =	vand.u32 $0xFFFFFFF8, v13;
	v11 =	vshll.u32 v11, $0x7  }
0x41: {  	v2 =	vadd.s32 v17, v2;
	v17 =	vand.u32 $0xFFFFFFF8, v19;
	v18 =	vand.u32 $0xFFFFFFF8, v10;
	v0 =	vld.idx.msk [tilespmem:v0+s13+$0x0], $0xffff  }
0x42: {  	v10 =	vand.u32 $0x7, v10;
	v2 =	vor.u32 v15, v2;
	v9 =	vadd.s32 v18, v9  }
0x43: {  	v11 =	vadd.s32 v17, v11;
	v9 =	vor.u32 v10, v9;
	v10 =	vand.u32 $0x7, v19  }
0x44: {  	v8 =	vld [tilespmem:s24+$0x1030];
	v10 =	vor.u32 v10, v11;
	v6 =	vand.u32 $0xFFFF0000, v5;
	v5 =	vshll.u32 v5, $0x10  }
0x45: {  	v20 =	vld [tilespmem:s24+$0x20];
	v21 =	vand.u32 $0x1C, v21;
	v26 =	vand.u32 $0x1FFFFF0, v26;
	v5 =	vsel vm0, v6, v5  }
0x46: {  	v15 =	vand.u32 $0xFFFFFFF8, v1;
	v1 =	vand.u32 $0x7, v1;
	v11 =	vadd.f32 v5, v0  }
0x47: {  	v2 =	vld.idx.msk [tilespmem:v2+s12+$0x0], $0xffff;
	v0 =	vshll.u32 v12, $0x7;
	v5 =	vand.u32 $0xFFFFFFF8, v4;
	v12 =	vshll.u32 v14, $0x7  }
0x48: {  	v6 =	vshll.u32 v7, $0x7;
	v7 =	vand.u32 $0xFFFFFFF8, v3;
	v5 =	vadd.s32 v5, v12;
	v12 =	vld [tilespmem:s24+$0x30]  }
0x49: {  	v47 =	vand.u32 $0xFFFFFFF8, v8;
	v6 =	vadd.s32 v15, v6;
	v0 =	vadd.s32 v7, v0;
	v7 =	vld.idx.msk [tilespmem:v10+s12+$0x0], $0xffff  }
0x4a: {  	v24 =	vshll.u32 v20, $0x2;
	v28 =	vshll.u32 v20, $0x1;
	v10 =	vor.u32 v1, v6;
	v6 =	vld [tilespmem:s24+$0x2030]  }
0x4b: {  	v46 =	vand.u32 $0x1C, v24;
	v55 =	vand.u32 $0x1FFFFF0, v28;
	v24 =	vand.u32 $0x7, v51  }
0x4c: {  	v3 =	vand.u32 $0x7, v3;
	vm0 =	vgt.s32 v16, $0xF;
	v16 =	vld [tilespmem:s24+$0x0];
	v4 =	vand.u32 $0x7, v4  }
0x4d: {  	v15 =	vor.u32 v3, v0;
	v17 =	vor.u32 v4, v5;
	v5 =	vshll.u32 v12, $0x2  }
0x4e: {  	v18 =	vld [tilespmem:s24+$0x2000];
	v0 =	vand.u32 $0xFFFF0000, v2;
	v1 =	vshll.u32 v2, $0x10;
	v5 =	vand.u32 $0x1C, v5  }
0x4f: {  	v19 =	vld [tilespmem:s24+$0x2010];
	v0 =	vsel vm2, v0, v1;
	v14 =	vadd.s32 v6, v5;
	v5 =	vshll.u32 v12, $0x1  }
0x50: {  	v3 =	vand.u32 $0xFFFF0000, v7;
	v5 =	vand.u32 $0x1FFFFF0, v5;
	v22 =	vand.u32 $0xF, v14  }
0x51: {  	v9 =	vld.idx.msk [tilespmem:v9+s12+$0x0], $0xffff;
	v4 =	vshll.u32 v7, $0x10;
	v7 =	vshll.u32 v16, $0x2;
	v5 =	vor.u32 v5, v22  }
0x52: {  	v48 =	vshll.u32 v6, $0x7;
	v7 =	vand.u32 $0x1C, v7;
	v25 =	vshll.u32 v5, $0x7  }
0x53: {  	v5 =	vadd.s32 v18, v7;
	v7 =	vand.u32 $0x7, v8;
	v8 =	vadd.s32 v47, v25  }
0x54: {  	v23 =	vld [tilespmem:s24+$0x2020];
	v6 =	vadd.s32 v19, v21;
	v8 =	vor.u32 v7, v8;
	v7 =	vand.u32 $0xFFFFFFF8, v12  }
0x55: {  	v27 =	vand.u32 $0xF, v6;
	v12 =	vand.u32 $0x7, v12;
	v50 =	vadd.s32 v7, v48  }
0x56: {  	s25 =	sand.u32 $0x3E00, s3;
	v1 =	vand.u32 $0xFFFF0000, v9;
	v26 =	vor.u32 v26, v27;
	v12 =	vor.u32 v12, v50  }
0x57: {  	s20 =	simm.s32 $0x30;
	s18 =	sshrl.u32 s25, $0x2;
	v2 =	vshll.u32 v9, $0x10;
	v9 =	vshll.u32 v16, $0x1;
	v26 =	vshll.u32 v26, $0x7  }
0x58: {  	s20 =	sand.u32 $0x70, s20;
	s21 =	sadd.s32 $0xB400, s18;
	v61 =	vand.u32 $0xFFFFFFF8, v16;
	v9 =	vand.u32 $0x1FFFFF0, v9;
	v26 =	vadd.s32 v57, v26  }
0x59: {  	s23 =	sor.u32 s20, s21;
	v53 =	vand.u32 $0xF, v5;
	v24 =	vor.u32 v24, v26;
	v7 =	vadd.s32 v23, v46;
	v8 =	vld.idx.msk [tilespmem:v8+s12+$0x0], $0xffff  }
0x5a: {  	s19 =	simm.s32 $0x10;
	s26 =	simm.s32 $0x20;
	[tilespmem:s23+$0x0] =	vst v11;
	v11 =	vand.u32 $0x7, v16;
	v9 =	vor.u32 v9, v53;
	v54 =	vand.u32 $0xF, v7  }
0x5b: {  	s28 =	sand.u32 $0x40, s3;
	s22 =	simm.s32 $0x100;
	s29 =	simm.s32 $0x60;
	vm2 =	vgt.s32 v14, $0xF;
	v9 =	vshll.u32 v9, $0x7;
	v22 =	vor.u32 v55, v54;
	v12 =	vld.idx.msk [tilespmem:v12+s13+$0x0], $0xffff  }
0x5c: {  	s19 =	sand.u32 $0x50, s19;
	s25 =	simm.s32 $0x50;
	s18 =	sand.u32 $0x60, s26;
	v25 =	vand.u32 $0x7, v49;
	v9 =	vadd.s32 v56, v9;
	v22 =	vshll.u32 v22, $0x7  }
0x5d: {  	s26 =	simm.s32 $0x70;
	s25 =	sand.u32 $0x50, s25;
	s19 =	sor.u32 s19, s21;
	v25 =	vor.u32 v25, v9;
	v9 =	vand.u32 $0x7, v52;
	v22 =	vadd.s32 v58, v22  }
0x5e: {  	s18 =	sor.u32 s18, s21;
	s20 =	sor.u32 s28, s21;
	s24 =	sand.u32 $0x3E00, s22;
	v16 =	vld.idx.msk [tilespmem:v24+s12+$0x0], $0xffff;
	v14 =	vor.u32 v9, v22;
	v59 =	vand.u32 $0xFFFF0000, v8;
	v60 =	vshll.u32 v8, $0x10  }
0x5f: {  	s21 =	simm.s32 $0x4;
	s26 =	sand.u32 $0x70, s26;
	v63 =	vand.u32 $0xFFFFFFF8, v20;
	vm0 =	vmmov vm0;
	s24 =	sshrl.u32 s24, $0x2;
	v8 =	vld.idx.msk [tilespmem:v10+s13+$0x0], $0xffff;
	v10 =	vsel vm2, v59, v60  }
0x60: {  	s22 =	simm.s32 $0x40;
	s23 =	simm.s32 $0x200;
	s28 =	sadd.s32 $0xB400, s24;
	v19 =	vshll.u32 v19, $0x7;
	v18 =	vshll.u32 v18, $0x7;
	v9 =	vld.idx.msk [tilespmem:v15+s13+$0x0], $0xffff;
	v12 =	vadd.f32 v10, v12  }
0x61: {  	s31 =	sand.u32 $0x40, s22;
	s24 =	sand.u32 $0x60, s29;
	s30 =	sor.u32 s26, s28;
	v23 =	vshll.u32 v23, $0x7;
	v10 =	vld.idx.msk [tilespmem:v17+s13+$0x0], $0xffff;
	v17 =	vadd.s32 v61, v18;
	v18 =	vadd.s32 v62, v19  }
0x62: {  	s25 =	sor.u32 s25, s28;
	s24 =	sor.u32 s24, s28;
	s26 =	sor.u32 s31, s28;
	v15 =	vld.idx.msk [tilespmem:v25+s12+$0x0], $0xffff;
	v19 =	vand.u32 $0x7, v13;
	v13 =	vadd.s32 v63, v23;
	[tilespmem:s30+$0x0] =	vst v12;
	v12 =	vand.u32 $0x7, v20  }
.LBB2_2:
0x63: {  	s28 =	sshra.s32 s23, $0x2;
	s21 =	sadd.s32 $0x4, s21;
	v17 =	vor.u32 v11, v17;
	v18 =	vor.u32 v19, v18;
	v14 =	vld.idx.msk [tilespmem:v14+s12+$0x0], $0xffff;
	v19 =	vor.u32 v12, v13  }
0x64: {  	vm2 =	vgt.s32 v5, $0xF;
	vm3 =	vgt.s32 v6, $0xF;
	vm4 =	vgt.s32 v7, $0xF;
	v20 =	vld [tilespmem:s28+$0x30];
	p0 =	slt.u32 s21, $0xFC  }
0x65: {  	v0 =	vadd.f32 v0, v8;
	v1 =	vsel vm0, v1, v2;
	v2 =	vsel vm1, v3, v4;
	v11 =	vld [tilespmem:s28+$0x0]  }
0x66: {  	v3 =	vadd.f32 v1, v9;
	v5 =	vadd.f32 v2, v10;
	vm0 =	vmmov vm3;
	v6 =	vld [tilespmem:s28+$0x2030]  }
0x67: {  	vm1 =	vmmov vm4;
	v1 =	vand.u32 $0xFFFF0000, v15;
	v2 =	vshll.u32 v15, $0x10;
	v12 =	vld [tilespmem:s28+$0x10];
	[tilespmem:s20+$0x0] =	vst v0;
	s20 =	smov.u32 s26  }
0x68: {  	v0 =	vsel vm2, v1, v2;
	v1 =	vand.u32 $0xFFFF0000, v16;
	v2 =	vshll.u32 v16, $0x10;
	v13 =	vld [tilespmem:s28+$0x20];
	[tilespmem:s19+$0x0] =	vst v3;
	s19 =	smov.u32 s25  }
0x69: {  	v3 =	vand.u32 $0xFFFF0000, v14;
	v4 =	vshll.u32 v14, $0x10;
	v7 =	vld [tilespmem:s28+$0x1030];
	v8 =	vshll.u32 v20, $0x2;
	[tilespmem:s18+$0x0] =	vst v5;
	s18 =	smov.u32 s24  }
0x6a: {  	v15 =	vld [tilespmem:s28+$0x2000];
	v5 =	vshll.u32 v11, $0x2;
	v14 =	vshll.u32 v11, $0x1;
	v8 =	vand.u32 $0x1C, v8  }
0x6b: {  	v5 =	vand.u32 $0x1C, v5;
	v16 =	vld [tilespmem:s28+$0x2010];
	v21 =	vadd.s32 v6, v8;
	v8 =	vshll.u32 v20, $0x1  }
0x6c: {  	v9 =	vshll.u32 v12, $0x2;
	v22 =	vld [tilespmem:s28+$0x2020];
	v8 =	vand.u32 $0x1FFFFF0, v8;
	v10 =	vand.u32 $0xF, v21  }
0x6d: {  	v23 =	vld [tilespmem:s28+$0x1000];
	v9 =	vand.u32 $0x1C, v9;
	v24 =	vshll.u32 v13, $0x2;
	v8 =	vor.u32 v8, v10  }
0x6e: {  	v25 =	vld [tilespmem:s28+$0x1010];
	v10 =	vand.u32 $0x1C, v24;
	v24 =	vand.u32 $0xFFFFFFF8, v7;
	v8 =	vshll.u32 v8, $0x7  }
0x6f: {  	v7 =	vand.u32 $0x7, v7;
	v5 =	vadd.s32 v15, v5;
	v26 =	vld [tilespmem:s28+$0x1020];
	v8 =	vadd.s32 v24, v8  }
0x70: {  	v27 =	vshll.u32 v6, $0x7;
	v24 =	vor.u32 v7, v8;
	v7 =	vand.u32 $0xFFFFFFF8, v20;
	v8 =	vld.idx.msk [tilespmem:v17+s13+$0x0], $0xffff  }
0x71: {  	v6 =	vadd.s32 v16, v9;
	v17 =	vand.u32 $0x7, v20;
	v20 =	vadd.s32 v7, v27;
	v9 =	vld.idx.msk [tilespmem:v18+s13+$0x0], $0xffff  }
0x72: {  	v18 =	vshll.u32 v12, $0x1;
	v7 =	vadd.s32 v22, v10;
	v17 =	vor.u32 v17, v20;
	v10 =	vld.idx.msk [tilespmem:v19+s13+$0x0], $0xffff  }
0x73: {  	v27 =	vshll.u32 v13, $0x1;
	v19 =	vand.u32 $0xF, v5;
	v20 =	vand.u32 $0xF, v6  }
0x74: {  	v14 =	vand.u32 $0x1FFFFF0, v14;
	v18 =	vand.u32 $0x1FFFFF0, v18;
	v28 =	vand.u32 $0xF, v7  }
0x75: {  	v14 =	vor.u32 v14, v19;
	v18 =	vor.u32 v18, v20;
	v19 =	vand.u32 $0x1FFFFF0, v27;
	v20 =	vld.idx.msk [tilespmem:v24+s12+$0x0], $0xffff  }
0x76: {  	v14 =	vshll.u32 v14, $0x7;
	v18 =	vshll.u32 v18, $0x7;
	v19 =	vor.u32 v19, v28  }
0x77: {  	v27 =	vand.u32 $0xFFFFFFF8, v25;
	v24 =	vand.u32 $0xFFFFFFF8, v23;
	v19 =	vshll.u32 v19, $0x7;
	v17 =	vld.idx.msk [tilespmem:v17+s13+$0x0], $0xffff  }
0x78: {  	v18 =	vadd.s32 v27, v18;
	v14 =	vadd.s32 v24, v14;
	v24 =	vand.u32 $0xFFFFFFF8, v26  }
0x79: {  	v25 =	vand.u32 $0x7, v25;
	v23 =	vand.u32 $0x7, v23;
	v19 =	vadd.s32 v24, v19  }
0x7a: {  	s22 =	sadd.s32 $0x40, s22;
	v23 =	vor.u32 v23, v14;
	v24 =	vor.u32 v25, v18;
	v14 =	vand.u32 $0x7, v26  }
0x7b: {  	s26 =	sadd.s32 $0x30, s22;
	s24 =	sand.u32 $0x3E00, s23;
	vm2 =	vgt.s32 v21, $0xF;
	v18 =	vand.u32 $0xFFFF0000, v20;
	v20 =	vshll.u32 v20, $0x10  }
.Ltmp0:
0x7c: {  	s25 =	sadd.s32 $0x10, s22;
	s24 =	sshrl.u32 s24, $0x2;
	v21 =	vand.u32 $0xFFFFFFF8, v11;
	v14 =	vor.u32 v14, v19;
	v18 =	vsel vm2, v18, v20;
	(pc) =	sbr.rel @p0 .LBB2_2-.Ltmp0, $4  }
0x7d: {  	s26 =	sand.u32 $0x70, s26;
	s28 =	sadd.s32 $0xB400, s24;
	s24 =	sadd.s32 $0x20, s22;
	v19 =	vshll.u32 v15, $0x7;
	v20 =	vand.u32 $0xFFFFFFF8, v12;
	v25 =	vadd.f32 v18, v17  }
0x7e: {  	s25 =	sand.u32 $0x50, s25;
	v16 =	vshll.u32 v16, $0x7;
	s24 =	sand.u32 $0x60, s24;
	s26 =	sor.u32 s26, s28;
	v22 =	vshll.u32 v22, $0x7;
	v26 =	vand.u32 $0xFFFFFFF8, v13  }
0x7f: {  	s29 =	sand.u32 $0x40, s22;
	v11 =	vand.u32 $0x7, v11;
	s25 =	sor.u32 s25, s28;
	s24 =	sor.u32 s24, s28;
	v17 =	vadd.s32 v21, v19;
	v18 =	vadd.s32 v20, v16;
	v15 =	vld.idx.msk [tilespmem:v23+s12+$0x0], $0xffff;
	[tilespmem:s26+$0x0] =	vst v25  }
0x80: {  	s23 =	sadd.s32 $0x100, s23;
	v19 =	vand.u32 $0x7, v12;
	v12 =	vand.u32 $0x7, v13;
	v13 =	vadd.s32 v26, v22;
	s26 =	sor.u32 s29, s28;
	v16 =	vld.idx.msk [tilespmem:v24+s12+$0x0], $0xffff  }
0x81: {  	v11 =	vor.u32 v11, v17  }
0x82: {  	v53 =	vor.u32 v19, v18  }
0x83: {  	v12 =	vor.u32 v12, v13;
	_ =	sdelay $0x1  }
0x84: {  	v54 =	vld.idx.msk [tilespmem:v14+s12+$0x0], $0xffff;
	vm2 =	vgt.s32 v5, $0xF  }
0x85: {  	vm3 =	vgt.s32 v6, $0xF;
	vm4 =	vgt.s32 v7, $0xF;
	v1 =	vsel vm0, v1, v2;
	v55 =	vld.idx.msk [tilespmem:v11+s13+$0x0], $0xffff  }
0x86: {  	v0 =	vadd.f32 v0, v8;
	v3 =	vsel vm1, v3, v4;
	v1 =	vadd.f32 v1, v9;
	v56 =	vld.idx.msk [tilespmem:v53+s13+$0x0], $0xffff  }
0x87: {  	v3 =	vadd.f32 v3, v10;
	v57 =	vand.u32 $0xFFFF0000, v15;
	v58 =	vshll.u32 v15, $0x10;
	v59 =	vld.idx.msk [tilespmem:v12+s13+$0x0], $0xffff  }
0x88: {  	vm14 =	vmmov vm3;
	vm15 =	vmmov vm4;
	v5 =	vsel vm2, v57, v58  }
0x89: {  	[tilespmem:s20+$0x0] =	vst v0;
	v60 =	vand.u32 $0xFFFF0000, v16;
	v61 =	vshll.u32 v16, $0x10;
	v62 =	vand.u32 $0xFFFF0000, v54  }
0x8a: {  	[tilespmem:s19+$0x0] =	vst v1;
	v63 =	vshll.u32 v54, $0x10;
	v0 =	vsel vm14, v60, v61;
	v2 =	vadd.f32 v5, v55  }
0x8b: {  	[tilespmem:s18+$0x0] =	vst v3;
	v1 =	vsel vm15, v62, v63;
	v0 =	vadd.f32 v0, v56  }
0x8c: {  	s17 =	sadd.s32 $0x1, s17;
	v1 =	vadd.f32 v1, v59;
	[tilespmem:s26+$0x0] =	vst v2  }
0x8d: {  	p0 =	sne.s32 s17, s9;
	[tilespmem:s25+$0x0] =	vst v0  }
.Ltmp1:
0x8e: {  	[tilespmem:s24+$0x0] =	vst v1;
	(pc) =	sbr.rel @p0 .LBB2_1-.Ltmp1, $4  }
0x8f: {  	[hbm4b:s8+s3] =	stream.linear.scatter [tilespmem:s15], [sflag:$0x2], $0x1000, $0x38;
	[tilespmem:$0xC400] =	vst v63  }
0x90: {  	_ =	swait.ge [sflag:s16], $0x1000  }
0x91: {  	[sflag:s16] =	ssyncset.done $0x0  }
0x92: {  	[sflag:s16] =	ssyncadd.s32 $0xFFFFF000  }
0x93: {  	_ =	sfence.sel $0x180000  }
0x94: {  	[bflag:$0x0] =	sbarrier.arrive $0xFFFF  }
0x95: {  	p0 =	sne.s32 s1, $0x0;
	_ =	strace $0x90000047  }
0x96: {  	s0 =	sadd.s32 @!p0 $0x100000, s0;
	[bflag:$0x2] =	sbarrier.arrive $0xFFFF  }
0x97: {  	[sflag:s0] =	ssyncadd.tile.s32 @!p0 $0x1;
	_ =	shalt  }
.Lfunc_end2:
_tile_overlayer_lowered:
.L_overlay_start_2:
0x98: {  	(tag) =	ssettag $0x2  }
0x99: {  	s0 =	rddreg [dreg:$0x0];
	s2 =	stileid.u32  }
0x9a: {  	s1 =	rddreg [dreg:$0x1];
	p0 =	sne.s32 s2, $0x0  }
0x9b: {  	s3 =	rddreg [dreg:$0x2];
	[bflag:$0x3] =	sbarrier.arrive $0xFFFF;
	s2 =	simm.s32 @!p0 $0x1C02  }
0x9c: {  	[timem:s3], [sflag:s2] =	dma.local @!p0 [hbm:s0], s1  }
0x9d: {  	s0 =	simm.s32 @!p0 $0x2  }
0x9e: {  	_ =	swait.ge @!p0 [sflag:s0], s1  }
0x9f: {  	s1 =	ssub.s32 @!p0 $0x0, s1;
	[sflag:s0] =	ssyncset.done @!p0 $0x0  }
0xa0: {  	[sflag:s0] =	ssyncadd.s32 @!p0 s1  }
0xa1: {  	[bflag:$0x3] =	sbarrier.arrive $0xFFFF  }
0xa2: {  	_ =	shalt  }

</sc_bundles>
